<compile_context>
chip_gen: v7x
topology: tpu7x:2x2x1
jax: 0.10.2.dev20260603
libtpu: 0.0.44.dev20260713+nightly
codegen_flags: <defaults>
</compile_context>

<pallas_src>
import functools

import jax
import jax.numpy as jnp
from jax import lax
from jax.experimental import pallas as pl
from jax.experimental.pallas import tpu as pltpu
from jax.experimental.pallas import tpu_sc as plsc

NUM_WF = 100000
WLEN = 512
PDIM = 8
NSAMP = 4096

NC = 2
NSUB = 16
NW = NC * NSUB
B_PER_W = NSAMP // NW
CH = 64
NCHUNK = B_PER_W // CH
NBUF = 3

_mesh = plsc.VectorSubcoreMesh(core_axis_name="c", subcore_axis_name="s")


@functools.partial(
    pl.kernel,
    mesh=_mesh,
    compiler_params=pltpu.CompilerParams(
        needs_layout_passes=False, skip_device_barrier=True),
    out_type=(
        jax.ShapeDtypeStruct((NSAMP, WLEN), jnp.float32),
        jax.ShapeDtypeStruct((NSAMP, WLEN), jnp.float32),
        jax.ShapeDtypeStruct((PDIM, NSAMP), jnp.float32),
    ),
    scratch_types=[
        pltpu.VMEM((B_PER_W,), jnp.int32),
        pltpu.VMEM((PDIM, B_PER_W), jnp.float32),
        [pltpu.VMEM((CH, WLEN), jnp.float32) for _ in range(NBUF)],
        [pltpu.SemaphoreType.DMA for _ in range(NBUF)],
        [pltpu.SemaphoreType.DMA for _ in range(NBUF)],
        pltpu.SemaphoreType.DMA,
    ],
)
def _sampler(hplus_hbm, hcross_hbm, ptflat_hbm, idx_hbm,
             out_p_hbm, out_c_hbm, out_part_hbm,
             idx_v, par_v, rings, gsems, ssems, qsem):
    wid = lax.axis_index("s") * NC + lax.axis_index("c")
    base = wid * B_PER_W
    pltpu.sync_copy(idx_hbm.at[pl.ds(base, B_PER_W)], idx_v)

    tables = [hplus_hbm, hcross_hbm]
    outs = [out_p_hbm, out_c_hbm]
    items = [(t, c) for c in range(NCHUNK) for t in range(2)]
    gh = [None] * len(items)
    sh = [None] * len(items)

    def _gather(k):
        t, c = items[k]
        return pltpu.async_copy(
            tables[t].at[idx_v.at[pl.ds(CH * c, CH)]],
            rings[k % NBUF], gsems[k % NBUF])

    def _scatter(k):
        t, c = items[k]
        return pltpu.async_copy(
            rings[k % NBUF], outs[t].at[pl.ds(base + CH * c, CH)],
            ssems[k % NBUF])

    gh[0] = _gather(0)

    qhs = []
    for j in range(PDIM):
        qhs.append(pltpu.async_copy(
            ptflat_hbm.at[pl.ds(j * NUM_WF, NUM_WF)].at[idx_v],
            par_v.at[j], qsem))

    for k in range(1, len(items)):
        if k >= NBUF:
            sh[k - NBUF].wait()
        gh[k] = _gather(k)
        gh[k - 1].wait()
        sh[k - 1] = _scatter(k - 1)
    last = len(items) - 1
    gh[last].wait()
    sh[last] = _scatter(last)
    for k in range(max(0, len(items) - NBUF), len(items)):
        sh[k].wait()

    for h in qhs:
        h.wait()
    pltpu.sync_copy(par_v, out_part_hbm.at[:, pl.ds(base, B_PER_W)])


def kernel(hplus, hcross, parameters, idx, N):
    out_p, out_c, par_t = _sampler(hplus, hcross, parameters.T.reshape(-1),
                                   idx.astype(jnp.int32))
    return (out_p, out_c, par_t.T)

# --- scband reference (transcript-rebuilt; emitter-appended) ---
"""Pipeline reference for scband-waveform-sampler-12189117186202 (READ-ONLY COPY).

The authoritative reference and input builder live on the scoring server;
editing this copy changes nothing except your own understanding.
"""

import jax, jax.numpy as jnp
import numpy as np

NUM_WAVEFORMS = 100000
WAVEFORM_LEN = 512
PARAM_DIM = 8
N_SAMPLES = 4096


def setup_inputs(seed: int = 0) -> dict:
    key = jax.random.key(seed)
    k1, k2, k3, k4 = jax.random.split(key, 4)
    hplus = jax.random.normal(k1, (NUM_WAVEFORMS, WAVEFORM_LEN), dtype=jnp.float32)
    hcross = jax.random.normal(k2, (NUM_WAVEFORMS, WAVEFORM_LEN), dtype=jnp.float32)
    parameters = jax.random.normal(k3, (NUM_WAVEFORMS, PARAM_DIM), dtype=jnp.float32)
    idx = jax.random.randint(k4, (N_SAMPLES,), 0, NUM_WAVEFORMS, dtype=jnp.int64 if jax.config.read('jax_enable_x64') else jnp.int32)
    return {"hplus": hplus, "hcross": hcross, "parameters": parameters, "idx": idx, "N": N_SAMPLES}


def reference(hplus, hcross, parameters, idx, N):
    # Faithful translation of WaveformSampler.foward:
    #   idx = torch.randint(num_waveforms, size=(N,))  -> materialized in setup_inputs for determinism
    #   waveforms = {k: v[idx] for k, v in polarizations}  (row gather per polarization)
    #   return (waveforms, parameters[idx]) since parameters is not None
    wf_plus = jnp.take(hplus, idx, axis=0)
    wf_cross = jnp.take(hcross, idx, axis=0)
    sampled_params = jnp.take(parameters, idx, axis=0)
    return (wf_plus, wf_cross, sampled_params)

if __name__ == "__main__":
    import jax
    _d = setup_inputs()
    print(jax.jit(kernel)(*tuple(_d.values())))

</pallas_src>

<mosaic_0001>
#map = affine_map<(d0, d1) -> (0, 0)>
#map1 = affine_map<(d0, d1) -> (0)>
module attributes {stable_mosaic.version = 14 : i64} {
  func.func @_sampler(%arg0: i32, %arg1: i32, %arg2: memref<100000x512xf32, #tpu.memory_space<hbm>>, %arg3: memref<100000x512xf32, #tpu.memory_space<hbm>>, %arg4: memref<800000xf32, #tpu.memory_space<hbm>>, %arg5: memref<4096xi32, #tpu.memory_space<hbm>>, %arg6: memref<4096x512xf32, #tpu.memory_space<hbm>>, %arg7: memref<4096x512xf32, #tpu.memory_space<hbm>>, %arg8: memref<8x4096xf32, #tpu.memory_space<hbm>>, %arg9: memref<128xi32, #tpu.memory_space<vmem>>, %arg10: memref<8x128xf32, #tpu.memory_space<vmem>>, %arg11: memref<64x512xf32, #tpu.memory_space<vmem>>, %arg12: memref<64x512xf32, #tpu.memory_space<vmem>>, %arg13: memref<64x512xf32, #tpu.memory_space<vmem>>, %arg14: memref<!tpu.dma_semaphore, #tpu.memory_space<semaphore_mem>>, %arg15: memref<!tpu.dma_semaphore, #tpu.memory_space<semaphore_mem>>, %arg16: memref<!tpu.dma_semaphore, #tpu.memory_space<semaphore_mem>>, %arg17: memref<!tpu.dma_semaphore, #tpu.memory_space<semaphore_mem>>, %arg18: memref<!tpu.dma_semaphore, #tpu.memory_space<semaphore_mem>>, %arg19: memref<!tpu.dma_semaphore, #tpu.memory_space<semaphore_mem>>, %arg20: memref<!tpu.dma_semaphore, #tpu.memory_space<semaphore_mem>>) attributes {dimension_semantics = [#tpu.dimension_semantics<core_parallel>, #tpu.dimension_semantics<subcore_parallel>], iteration_bounds = array<i64: 2, 16>, scalar_prefetch = 0 : i64, scratch_operands = 12 : i64, tpu.core_type = #tpu.core_type<sc_vector_subcore>, window_params = [{transform_indices = #map}, {transform_indices = #map}, {transform_indices = #map1}, {transform_indices = #map1}, {transform_indices = #map}, {transform_indices = #map}, {transform_indices = #map}]} {
    %mul3A = arith.constant 2 : i32
    %mul3A_0 = arith.muli %arg1, %mul3A : i32
    %add3A = arith.addi %mul3A_0, %arg0 : i32
    %mul3A_1 = arith.constant 128 : i32
    %mul3A_2 = arith.muli %add3A, %mul3A_1 : i32
    "tpu.region"() ({
      %run_scoped3A = tpu.sem_alloc : memref<!tpu.dma_semaphore, #tpu.memory_space<semaphore_mem>>
      %dma_start3A_209 = tpu.memref_slice %arg5[%mul3A_2] : memref<4096xi32, #tpu.memory_space<hbm>> -> memref<128xi32, #tpu.memory_space<hbm>>
      %dma_start3A_210 = tpu.memref_slice %arg5[%mul3A_2] : memref<4096xi32, #tpu.memory_space<hbm>> -> memref<128xi32, #tpu.memory_space<hbm>>
      tpu.enqueue_dma source(%dma_start3A_210 : memref<128xi32, #tpu.memory_space<hbm>>) target(%arg9 : memref<128xi32, #tpu.memory_space<vmem>>) target_semaphore(%run_scoped3A : memref<!tpu.dma_semaphore, #tpu.memory_space<semaphore_mem>>)
      %dma_wait3A_211 = tpu.memref_slice %arg5[%mul3A_2] : memref<4096xi32, #tpu.memory_space<hbm>> -> memref<128xi32, #tpu.memory_space<hbm>>
      %dma_wait3A_212 = tpu.memref_slice %arg5[%mul3A_2] : memref<4096xi32, #tpu.memory_space<hbm>> -> memref<128xi32, #tpu.memory_space<hbm>>
      tpu.wait_dma2 semaphore(%run_scoped3A : memref<!tpu.dma_semaphore, #tpu.memory_space<semaphore_mem>>) src(%dma_wait3A_212 : memref<128xi32, #tpu.memory_space<hbm>>) dst(%arg9 : memref<128xi32, #tpu.memory_space<vmem>>)
      tpu.yield
    }) : () -> ()
    %dma_start3A = arith.constant 0 : i32
    %dma_start3A_3 = tpu.memref_slice %arg9[%dma_start3A] : memref<128xi32, #tpu.memory_space<vmem>> -> memref<64xi32, #tpu.memory_space<vmem>>
    %dma_start3A_4 = arith.constant 0 : i32
    %dma_start3A_5 = arith.constant 0 : i32
    %dma_start3A_6 = tpu.memref_slice %arg2[%dma_start3A_4, %dma_start3A_5] : memref<100000x512xf32, #tpu.memory_space<hbm>> -> memref<100000x512xf32, #tpu.memory_space<hbm>>
    tpu.enqueue_indirect_dma source(%dma_start3A_6 : memref<100000x512xf32, #tpu.memory_space<hbm>>) target(%arg11 : memref<64x512xf32, #tpu.memory_space<vmem>>) offsets(%dma_start3A_3 : memref<64xi32, #tpu.memory_space<vmem>>) semaphore(%arg14 : memref<!tpu.dma_semaphore, #tpu.memory_space<semaphore_mem>>)
    %dma_start3A_7 = arith.constant 0 : i32
    %dma_start3A_8 = arith.constant 0 : i32
    %dma_start3A_9 = tpu.memref_slice %arg10[%dma_start3A_7, %dma_start3A_8] : memref<8x128xf32, #tpu.memory_space<vmem>> -> memref<1x128xf32, #tpu.memory_space<vmem>>
    %dma_start3A_10 = tpu.memref_squeeze %dma_start3A_9 : memref<1x128xf32, #tpu.memory_space<vmem>> -> memref<128xf32, #tpu.memory_space<vmem>>
    %dma_start3A_11 = arith.constant 0 : i32
    %dma_start3A_12 = tpu.memref_slice %arg4[%dma_start3A_11] : memref<800000xf32, #tpu.memory_space<hbm>> -> memref<100000xf32, #tpu.memory_space<hbm>>
    %dma_start3A_13 = arith.constant 0 : i32
    %dma_start3A_14 = tpu.memref_slice %dma_start3A_12[%dma_start3A_13] : memref<100000xf32, #tpu.memory_space<hbm>> -> memref<100000xf32, #tpu.memory_space<hbm>>
    tpu.enqueue_indirect_dma source(%dma_start3A_14 : memref<100000xf32, #tpu.memory_space<hbm>>) target(%dma_start3A_10 : memref<128xf32, #tpu.memory_space<vmem>>) offsets(%arg9 : memref<128xi32, #tpu.memory_space<vmem>>) semaphore(%arg20 : memref<!tpu.dma_semaphore, #tpu.memory_space<semaphore_mem>>)
    %dma_start3A_15 = arith.constant 1 : i32
    %dma_start3A_16 = arith.constant 0 : i32
    %dma_start3A_17 = tpu.memref_slice %arg10[%dma_start3A_15, %dma_start3A_16] : memref<8x128xf32, #tpu.memory_space<vmem>> -> memref<1x128xf32, #tpu.memory_space<vmem>>
    %dma_start3A_18 = tpu.memref_squeeze %dma_start3A_17 : memref<1x128xf32, #tpu.memory_space<vmem>> -> memref<128xf32, #tpu.memory_space<vmem>>
    %dma_start3A_19 = arith.constant 100000 : i32
    %dma_start3A_20 = tpu.memref_slice %arg4[%dma_start3A_19] : memref<800000xf32, #tpu.memory_space<hbm>> -> memref<100000xf32, #tpu.memory_space<hbm>>
    %dma_start3A_21 = arith.constant 0 : i32
    %dma_start3A_22 = tpu.memref_slice %dma_start3A_20[%dma_start3A_21] : memref<100000xf32, #tpu.memory_space<hbm>> -> memref<100000xf32, #tpu.memory_space<hbm>>
    tpu.enqueue_indirect_dma source(%dma_start3A_22 : memref<100000xf32, #tpu.memory_space<hbm>>) target(%dma_start3A_18 : memref<128xf32, #tpu.memory_space<vmem>>) offsets(%arg9 : memref<128xi32, #tpu.memory_space<vmem>>) semaphore(%arg20 : memref<!tpu.dma_semaphore, #tpu.memory_space<semaphore_mem>>)
    %dma_start3A_23 = arith.constant 2 : i32
    %dma_start3A_24 = arith.constant 0 : i32
    %dma_start3A_25 = tpu.memref_slice %arg10[%dma_start3A_23, %dma_start3A_24] : memref<8x128xf32, #tpu.memory_space<vmem>> -> memref<1x128xf32, #tpu.memory_space<vmem>>
    %dma_start3A_26 = tpu.memref_squeeze %dma_start3A_25 : memref<1x128xf32, #tpu.memory_space<vmem>> -> memref<128xf32, #tpu.memory_space<vmem>>
    %dma_start3A_27 = arith.constant 200000 : i32
    %dma_start3A_28 = tpu.memref_slice %arg4[%dma_start3A_27] : memref<800000xf32, #tpu.memory_space<hbm>> -> memref<100000xf32, #tpu.memory_space<hbm>>
    %dma_start3A_29 = arith.constant 0 : i32
    %dma_start3A_30 = tpu.memref_slice %dma_start3A_28[%dma_start3A_29] : memref<100000xf32, #tpu.memory_space<hbm>> -> memref<100000xf32, #tpu.memory_space<hbm>>
    tpu.enqueue_indirect_dma source(%dma_start3A_30 : memref<100000xf32, #tpu.memory_space<hbm>>) target(%dma_start3A_26 : memref<128xf32, #tpu.memory_space<vmem>>) offsets(%arg9 : memref<128xi32, #tpu.memory_space<vmem>>) semaphore(%arg20 : memref<!tpu.dma_semaphore, #tpu.memory_space<semaphore_mem>>)
    %dma_start3A_31 = arith.constant 3 : i32
    %dma_start3A_32 = arith.constant 0 : i32
    %dma_start3A_33 = tpu.memref_slice %arg10[%dma_start3A_31, %dma_start3A_32] : memref<8x128xf32, #tpu.memory_space<vmem>> -> memref<1x128xf32, #tpu.memory_space<vmem>>
    %dma_start3A_34 = tpu.memref_squeeze %dma_start3A_33 : memref<1x128xf32, #tpu.memory_space<vmem>> -> memref<128xf32, #tpu.memory_space<vmem>>
    %dma_start3A_35 = arith.constant 300000 : i32
    %dma_start3A_36 = tpu.memref_slice %arg4[%dma_start3A_35] : memref<800000xf32, #tpu.memory_space<hbm>> -> memref<100000xf32, #tpu.memory_space<hbm>>
    %dma_start3A_37 = arith.constant 0 : i32
    %dma_start3A_38 = tpu.memref_slice %dma_start3A_36[%dma_start3A_37] : memref<100000xf32, #tpu.memory_space<hbm>> -> memref<100000xf32, #tpu.memory_space<hbm>>
    tpu.enqueue_indirect_dma source(%dma_start3A_38 : memref<100000xf32, #tpu.memory_space<hbm>>) target(%dma_start3A_34 : memref<128xf32, #tpu.memory_space<vmem>>) offsets(%arg9 : memref<128xi32, #tpu.memory_space<vmem>>) semaphore(%arg20 : memref<!tpu.dma_semaphore, #tpu.memory_space<semaphore_mem>>)
    %dma_start3A_39 = arith.constant 4 : i32
    %dma_start3A_40 = arith.constant 0 : i32
    %dma_start3A_41 = tpu.memref_slice %arg10[%dma_start3A_39, %dma_start3A_40] : memref<8x128xf32, #tpu.memory_space<vmem>> -> memref<1x128xf32, #tpu.memory_space<vmem>>
    %dma_start3A_42 = tpu.memref_squeeze %dma_start3A_41 : memref<1x128xf32, #tpu.memory_space<vmem>> -> memref<128xf32, #tpu.memory_space<vmem>>
    %dma_start3A_43 = arith.constant 400000 : i32
    %dma_start3A_44 = tpu.memref_slice %arg4[%dma_start3A_43] : memref<800000xf32, #tpu.memory_space<hbm>> -> memref<100000xf32, #tpu.memory_space<hbm>>
    %dma_start3A_45 = arith.constant 0 : i32
    %dma_start3A_46 = tpu.memref_slice %dma_start3A_44[%dma_start3A_45] : memref<100000xf32, #tpu.memory_space<hbm>> -> memref<100000xf32, #tpu.memory_space<hbm>>
    tpu.enqueue_indirect_dma source(%dma_start3A_46 : memref<100000xf32, #tpu.memory_space<hbm>>) target(%dma_start3A_42 : memref<128xf32, #tpu.memory_space<vmem>>) offsets(%arg9 : memref<128xi32, #tpu.memory_space<vmem>>) semaphore(%arg20 : memref<!tpu.dma_semaphore, #tpu.memory_space<semaphore_mem>>)
    %dma_start3A_47 = arith.constant 5 : i32
    %dma_start3A_48 = arith.constant 0 : i32
    %dma_start3A_49 = tpu.memref_slice %arg10[%dma_start3A_47, %dma_start3A_48] : memref<8x128xf32, #tpu.memory_space<vmem>> -> memref<1x128xf32, #tpu.memory_space<vmem>>
    %dma_start3A_50 = tpu.memref_squeeze %dma_start3A_49 : memref<1x128xf32, #tpu.memory_space<vmem>> -> memref<128xf32, #tpu.memory_space<vmem>>
    %dma_start3A_51 = arith.constant 500000 : i32
    %dma_start3A_52 = tpu.memref_slice %arg4[%dma_start3A_51] : memref<800000xf32, #tpu.memory_space<hbm>> -> memref<100000xf32, #tpu.memory_space<hbm>>
    %dma_start3A_53 = arith.constant 0 : i32
    %dma_start3A_54 = tpu.memref_slice %dma_start3A_52[%dma_start3A_53] : memref<100000xf32, #tpu.memory_space<hbm>> -> memref<100000xf32, #tpu.memory_space<hbm>>
    tpu.enqueue_indirect_dma source(%dma_start3A_54 : memref<100000xf32, #tpu.memory_space<hbm>>) target(%dma_start3A_50 : memref<128xf32, #tpu.memory_space<vmem>>) offsets(%arg9 : memref<128xi32, #tpu.memory_space<vmem>>) semaphore(%arg20 : memref<!tpu.dma_semaphore, #tpu.memory_space<semaphore_mem>>)
    %dma_start3A_55 = arith.constant 6 : i32
    %dma_start3A_56 = arith.constant 0 : i32
    %dma_start3A_57 = tpu.memref_slice %arg10[%dma_start3A_55, %dma_start3A_56] : memref<8x128xf32, #tpu.memory_space<vmem>> -> memref<1x128xf32, #tpu.memory_space<vmem>>
    %dma_start3A_58 = tpu.memref_squeeze %dma_start3A_57 : memref<1x128xf32, #tpu.memory_space<vmem>> -> memref<128xf32, #tpu.memory_space<vmem>>
    %dma_start3A_59 = arith.constant 600000 : i32
    %dma_start3A_60 = tpu.memref_slice %arg4[%dma_start3A_59] : memref<800000xf32, #tpu.memory_space<hbm>> -> memref<100000xf32, #tpu.memory_space<hbm>>
    %dma_start3A_61 = arith.constant 0 : i32
    %dma_start3A_62 = tpu.memref_slice %dma_start3A_60[%dma_start3A_61] : memref<100000xf32, #tpu.memory_space<hbm>> -> memref<100000xf32, #tpu.memory_space<hbm>>
    tpu.enqueue_indirect_dma source(%dma_start3A_62 : memref<100000xf32, #tpu.memory_space<hbm>>) target(%dma_start3A_58 : memref<128xf32, #tpu.memory_space<vmem>>) offsets(%arg9 : memref<128xi32, #tpu.memory_space<vmem>>) semaphore(%arg20 : memref<!tpu.dma_semaphore, #tpu.memory_space<semaphore_mem>>)
    %dma_start3A_63 = arith.constant 7 : i32
    %dma_start3A_64 = arith.constant 0 : i32
    %dma_start3A_65 = tpu.memref_slice %arg10[%dma_start3A_63, %dma_start3A_64] : memref<8x128xf32, #tpu.memory_space<vmem>> -> memref<1x128xf32, #tpu.memory_space<vmem>>
    %dma_start3A_66 = tpu.memref_squeeze %dma_start3A_65 : memref<1x128xf32, #tpu.memory_space<vmem>> -> memref<128xf32, #tpu.memory_space<vmem>>
    %dma_start3A_67 = arith.constant 700000 : i32
    %dma_start3A_68 = tpu.memref_slice %arg4[%dma_start3A_67] : memref<800000xf32, #tpu.memory_space<hbm>> -> memref<100000xf32, #tpu.memory_space<hbm>>
    %dma_start3A_69 = arith.constant 0 : i32
    %dma_start3A_70 = tpu.memref_slice %dma_start3A_68[%dma_start3A_69] : memref<100000xf32, #tpu.memory_space<hbm>> -> memref<100000xf32, #tpu.memory_space<hbm>>
    tpu.enqueue_indirect_dma source(%dma_start3A_70 : memref<100000xf32, #tpu.memory_space<hbm>>) target(%dma_start3A_66 : memref<128xf32, #tpu.memory_space<vmem>>) offsets(%arg9 : memref<128xi32, #tpu.memory_space<vmem>>) semaphore(%arg20 : memref<!tpu.dma_semaphore, #tpu.memory_space<semaphore_mem>>)
    %dma_start3A_71 = arith.constant 0 : i32
    %dma_start3A_72 = tpu.memref_slice %arg9[%dma_start3A_71] : memref<128xi32, #tpu.memory_space<vmem>> -> memref<64xi32, #tpu.memory_space<vmem>>
    %dma_start3A_73 = arith.constant 0 : i32
    %dma_start3A_74 = arith.constant 0 : i32
    %dma_start3A_75 = tpu.memref_slice %arg3[%dma_start3A_73, %dma_start3A_74] : memref<100000x512xf32, #tpu.memory_space<hbm>> -> memref<100000x512xf32, #tpu.memory_space<hbm>>
    tpu.enqueue_indirect_dma source(%dma_start3A_75 : memref<100000x512xf32, #tpu.memory_space<hbm>>) target(%arg12 : memref<64x512xf32, #tpu.memory_space<vmem>>) offsets(%dma_start3A_72 : memref<64xi32, #tpu.memory_space<vmem>>) semaphore(%arg15 : memref<!tpu.dma_semaphore, #tpu.memory_space<semaphore_mem>>)
    %dma_wait3A = arith.constant 0 : i32
    %dma_wait3A_76 = tpu.memref_slice %arg9[%dma_wait3A] : memref<128xi32, #tpu.memory_space<vmem>> -> memref<64xi32, #tpu.memory_space<vmem>>
    %dma_wait3A_77 = arith.constant 0 : i32
    %dma_wait3A_78 = arith.constant 0 : i32
    %dma_wait3A_79 = tpu.memref_slice %arg2[%dma_wait3A_77, %dma_wait3A_78] : memref<100000x512xf32, #tpu.memory_space<hbm>> -> memref<100000x512xf32, #tpu.memory_space<hbm>>
    tpu.wait_indirect_dma semaphore(%arg14 : memref<!tpu.dma_semaphore, #tpu.memory_space<semaphore_mem>>) src(%dma_wait3A_79 : memref<100000x512xf32, #tpu.memory_space<hbm>>) dst(%arg11 : memref<64x512xf32, #tpu.memory_space<vmem>>)
    %add3A_80 = arith.constant 0 : i32
    %add3A_81 = arith.addi %mul3A_2, %add3A_80 : i32
    %dma_start3A_82 = arith.constant 0 : i32
    %dma_start3A_83 = tpu.memref_slice %arg6[%add3A_81, %dma_start3A_82] : memref<4096x512xf32, #tpu.memory_space<hbm>> -> memref<64x512xf32, #tpu.memory_space<hbm>>
    %dma_start3A_84 = arith.constant 0 : i32
    %dma_start3A_85 = tpu.memref_slice %arg6[%add3A_81, %dma_start3A_84] : memref<4096x512xf32, #tpu.memory_space<hbm>> -> memref<64x512xf32, #tpu.memory_space<hbm>>
    tpu.enqueue_dma source(%arg11 : memref<64x512xf32, #tpu.memory_space<vmem>>) target(%dma_start3A_85 : memref<64x512xf32, #tpu.memory_space<hbm>>) target_semaphore(%arg17 : memref<!tpu.dma_semaphore, #tpu.memory_space<semaphore_mem>>)
    %dma_start3A_86 = arith.constant 64 : i32
    %dma_start3A_87 = tpu.memref_slice %arg9[%dma_start3A_86] : memref<128xi32, #tpu.memory_space<vmem>> -> memref<64xi32, #tpu.memory_space<vmem>>
    %dma_start3A_88 = arith.constant 0 : i32
    %dma_start3A_89 = arith.constant 0 : i32
    %dma_start3A_90 = tpu.memref_slice %arg2[%dma_start3A_88, %dma_start3A_89] : memref<100000x512xf32, #tpu.memory_space<hbm>> -> memref<100000x512xf32, #tpu.memory_space<hbm>>
    tpu.enqueue_indirect_dma source(%dma_start3A_90 : memref<100000x512xf32, #tpu.memory_space<hbm>>) target(%arg13 : memref<64x512xf32, #tpu.memory_space<vmem>>) offsets(%dma_start3A_87 : memref<64xi32, #tpu.memory_space<vmem>>) semaphore(%arg16 : memref<!tpu.dma_semaphore, #tpu.memory_space<semaphore_mem>>)
    %dma_wait3A_91 = arith.constant 0 : i32
    %dma_wait3A_92 = tpu.memref_slice %arg9[%dma_wait3A_91] : memref<128xi32, #tpu.memory_space<vmem>> -> memref<64xi32, #tpu.memory_space<vmem>>
    %dma_wait3A_93 = arith.constant 0 : i32
    %dma_wait3A_94 = arith.constant 0 : i32
    %dma_wait3A_95 = tpu.memref_slice %arg3[%dma_wait3A_93, %dma_wait3A_94] : memref<100000x512xf32, #tpu.memory_space<hbm>> -> memref<100000x512xf32, #tpu.memory_space<hbm>>
    tpu.wait_indirect_dma semaphore(%arg15 : memref<!tpu.dma_semaphore, #tpu.memory_space<semaphore_mem>>) src(%dma_wait3A_95 : memref<100000x512xf32, #tpu.memory_space<hbm>>) dst(%arg12 : memref<64x512xf32, #tpu.memory_space<vmem>>)
    %add3A_96 = arith.constant 0 : i32
    %add3A_97 = arith.addi %mul3A_2, %add3A_96 : i32
    %dma_start3A_98 = arith.constant 0 : i32
    %dma_start3A_99 = tpu.memref_slice %arg7[%add3A_97, %dma_start3A_98] : memref<4096x512xf32, #tpu.memory_space<hbm>> -> memref<64x512xf32, #tpu.memory_space<hbm>>
    %dma_start3A_100 = arith.constant 0 : i32
    %dma_start3A_101 = tpu.memref_slice %arg7[%add3A_97, %dma_start3A_100] : memref<4096x512xf32, #tpu.memory_space<hbm>> -> memref<64x512xf32, #tpu.memory_space<hbm>>
    tpu.enqueue_dma source(%arg12 : memref<64x512xf32, #tpu.memory_space<vmem>>) target(%dma_start3A_101 : memref<64x512xf32, #tpu.memory_space<hbm>>) target_semaphore(%arg18 : memref<!tpu.dma_semaphore, #tpu.memory_space<semaphore_mem>>)
    %dma_wait3A_102 = arith.constant 0 : i32
    %dma_wait3A_103 = tpu.memref_slice %arg6[%add3A_81, %dma_wait3A_102] : memref<4096x512xf32, #tpu.memory_space<hbm>> -> memref<64x512xf32, #tpu.memory_space<hbm>>
    %dma_wait3A_104 = arith.constant 0 : i32
    %dma_wait3A_105 = tpu.memref_slice %arg6[%add3A_81, %dma_wait3A_104] : memref<4096x512xf32, #tpu.memory_space<hbm>> -> memref<64x512xf32, #tpu.memory_space<hbm>>
    tpu.wait_dma2 semaphore(%arg17 : memref<!tpu.dma_semaphore, #tpu.memory_space<semaphore_mem>>) src(%arg11 : memref<64x512xf32, #tpu.memory_space<vmem>>) dst(%dma_wait3A_105 : memref<64x512xf32, #tpu.memory_space<hbm>>)
    %dma_start3A_106 = arith.constant 64 : i32
    %dma_start3A_107 = tpu.memref_slice %arg9[%dma_start3A_106] : memref<128xi32, #tpu.memory_space<vmem>> -> memref<64xi32, #tpu.memory_space<vmem>>
    %dma_start3A_108 = arith.constant 0 : i32
    %dma_start3A_109 = arith.constant 0 : i32
    %dma_start3A_110 = tpu.memref_slice %arg3[%dma_start3A_108, %dma_start3A_109] : memref<100000x512xf32, #tpu.memory_space<hbm>> -> memref<100000x512xf32, #tpu.memory_space<hbm>>
    tpu.enqueue_indirect_dma source(%dma_start3A_110 : memref<100000x512xf32, #tpu.memory_space<hbm>>) target(%arg11 : memref<64x512xf32, #tpu.memory_space<vmem>>) offsets(%dma_start3A_107 : memref<64xi32, #tpu.memory_space<vmem>>) semaphore(%arg14 : memref<!tpu.dma_semaphore, #tpu.memory_space<semaphore_mem>>)
    %dma_wait3A_111 = arith.constant 64 : i32
    %dma_wait3A_112 = tpu.memref_slice %arg9[%dma_wait3A_111] : memref<128xi32, #tpu.memory_space<vmem>> -> memref<64xi32, #tpu.memory_space<vmem>>
    %dma_wait3A_113 = arith.constant 0 : i32
    %dma_wait3A_114 = arith.constant 0 : i32
    %dma_wait3A_115 = tpu.memref_slice %arg2[%dma_wait3A_113, %dma_wait3A_114] : memref<100000x512xf32, #tpu.memory_space<hbm>> -> memref<100000x512xf32, #tpu.memory_space<hbm>>
    tpu.wait_indirect_dma semaphore(%arg16 : memref<!tpu.dma_semaphore, #tpu.memory_space<semaphore_mem>>) src(%dma_wait3A_115 : memref<100000x512xf32, #tpu.memory_space<hbm>>) dst(%arg13 : memref<64x512xf32, #tpu.memory_space<vmem>>)
    %add3A_116 = arith.constant 64 : i32
    %add3A_117 = arith.addi %mul3A_2, %add3A_116 : i32
    %dma_start3A_118 = arith.constant 0 : i32
    %dma_start3A_119 = tpu.memref_slice %arg6[%add3A_117, %dma_start3A_118] : memref<4096x512xf32, #tpu.memory_space<hbm>> -> memref<64x512xf32, #tpu.memory_space<hbm>>
    %dma_start3A_120 = arith.constant 0 : i32
    %dma_start3A_121 = tpu.memref_slice %arg6[%add3A_117, %dma_start3A_120] : memref<4096x512xf32, #tpu.memory_space<hbm>> -> memref<64x512xf32, #tpu.memory_space<hbm>>
    tpu.enqueue_dma source(%arg13 : memref<64x512xf32, #tpu.memory_space<vmem>>) target(%dma_start3A_121 : memref<64x512xf32, #tpu.memory_space<hbm>>) target_semaphore(%arg19 : memref<!tpu.dma_semaphore, #tpu.memory_space<semaphore_mem>>)
    %dma_wait3A_122 = arith.constant 64 : i32
    %dma_wait3A_123 = tpu.memref_slice %arg9[%dma_wait3A_122] : memref<128xi32, #tpu.memory_space<vmem>> -> memref<64xi32, #tpu.memory_space<vmem>>
    %dma_wait3A_124 = arith.constant 0 : i32
    %dma_wait3A_125 = arith.constant 0 : i32
    %dma_wait3A_126 = tpu.memref_slice %arg3[%dma_wait3A_124, %dma_wait3A_125] : memref<100000x512xf32, #tpu.memory_space<hbm>> -> memref<100000x512xf32, #tpu.memory_space<hbm>>
    tpu.wait_indirect_dma semaphore(%arg14 : memref<!tpu.dma_semaphore, #tpu.memory_space<semaphore_mem>>) src(%dma_wait3A_126 : memref<100000x512xf32, #tpu.memory_space<hbm>>) dst(%arg11 : memref<64x512xf32, #tpu.memory_space<vmem>>)
    %add3A_127 = arith.constant 64 : i32
    %add3A_128 = arith.addi %mul3A_2, %add3A_127 : i32
    %dma_start3A_129 = arith.constant 0 : i32
    %dma_start3A_130 = tpu.memref_slice %arg7[%add3A_128, %dma_start3A_129] : memref<4096x512xf32, #tpu.memory_space<hbm>> -> memref<64x512xf32, #tpu.memory_space<hbm>>
    %dma_start3A_131 = arith.constant 0 : i32
    %dma_start3A_132 = tpu.memref_slice %arg7[%add3A_128, %dma_start3A_131] : memref<4096x512xf32, #tpu.memory_space<hbm>> -> memref<64x512xf32, #tpu.memory_space<hbm>>
    tpu.enqueue_dma source(%arg11 : memref<64x512xf32, #tpu.memory_space<vmem>>) target(%dma_start3A_132 : memref<64x512xf32, #tpu.memory_space<hbm>>) target_semaphore(%arg17 : memref<!tpu.dma_semaphore, #tpu.memory_space<semaphore_mem>>)
    %dma_wait3A_133 = arith.constant 0 : i32
    %dma_wait3A_134 = tpu.memref_slice %arg7[%add3A_97, %dma_wait3A_133] : memref<4096x512xf32, #tpu.memory_space<hbm>> -> memref<64x512xf32, #tpu.memory_space<hbm>>
    %dma_wait3A_135 = arith.constant 0 : i32
    %dma_wait3A_136 = tpu.memref_slice %arg7[%add3A_97, %dma_wait3A_135] : memref<4096x512xf32, #tpu.memory_space<hbm>> -> memref<64x512xf32, #tpu.memory_space<hbm>>
    tpu.wait_dma2 semaphore(%arg18 : memref<!tpu.dma_semaphore, #tpu.memory_space<semaphore_mem>>) src(%arg12 : memref<64x512xf32, #tpu.memory_space<vmem>>) dst(%dma_wait3A_136 : memref<64x512xf32, #tpu.memory_space<hbm>>)
    %dma_wait3A_137 = arith.constant 0 : i32
    %dma_wait3A_138 = tpu.memref_slice %arg6[%add3A_117, %dma_wait3A_137] : memref<4096x512xf32, #tpu.memory_space<hbm>> -> memref<64x512xf32, #tpu.memory_space<hbm>>
    %dma_wait3A_139 = arith.constant 0 : i32
    %dma_wait3A_140 = tpu.memref_slice %arg6[%add3A_117, %dma_wait3A_139] : memref<4096x512xf32, #tpu.memory_space<hbm>> -> memref<64x512xf32, #tpu.memory_space<hbm>>
    tpu.wait_dma2 semaphore(%arg19 : memref<!tpu.dma_semaphore, #tpu.memory_space<semaphore_mem>>) src(%arg13 : memref<64x512xf32, #tpu.memory_space<vmem>>) dst(%dma_wait3A_140 : memref<64x512xf32, #tpu.memory_space<hbm>>)
    %dma_wait3A_141 = arith.constant 0 : i32
    %dma_wait3A_142 = tpu.memref_slice %arg7[%add3A_128, %dma_wait3A_141] : memref<4096x512xf32, #tpu.memory_space<hbm>> -> memref<64x512xf32, #tpu.memory_space<hbm>>
    %dma_wait3A_143 = arith.constant 0 : i32
    %dma_wait3A_144 = tpu.memref_slice %arg7[%add3A_128, %dma_wait3A_143] : memref<4096x512xf32, #tpu.memory_space<hbm>> -> memref<64x512xf32, #tpu.memory_space<hbm>>
    tpu.wait_dma2 semaphore(%arg17 : memref<!tpu.dma_semaphore, #tpu.memory_space<semaphore_mem>>) src(%arg11 : memref<64x512xf32, #tpu.memory_space<vmem>>) dst(%dma_wait3A_144 : memref<64x512xf32, #tpu.memory_space<hbm>>)
    %dma_wait3A_145 = arith.constant 0 : i32
    %dma_wait3A_146 = arith.constant 0 : i32
    %dma_wait3A_147 = tpu.memref_slice %arg10[%dma_wait3A_145, %dma_wait3A_146] : memref<8x128xf32, #tpu.memory_space<vmem>> -> memref<1x128xf32, #tpu.memory_space<vmem>>
    %dma_wait3A_148 = tpu.memref_squeeze %dma_wait3A_147 : memref<1x128xf32, #tpu.memory_space<vmem>> -> memref<128xf32, #tpu.memory_space<vmem>>
    %dma_wait3A_149 = arith.constant 0 : i32
    %dma_wait3A_150 = tpu.memref_slice %arg4[%dma_wait3A_149] : memref<800000xf32, #tpu.memory_space<hbm>> -> memref<100000xf32, #tpu.memory_space<hbm>>
    %dma_wait3A_151 = arith.constant 0 : i32
    %dma_wait3A_152 = tpu.memref_slice %dma_wait3A_150[%dma_wait3A_151] : memref<100000xf32, #tpu.memory_space<hbm>> -> memref<100000xf32, #tpu.memory_space<hbm>>
    tpu.wait_indirect_dma semaphore(%arg20 : memref<!tpu.dma_semaphore, #tpu.memory_space<semaphore_mem>>) src(%dma_wait3A_152 : memref<100000xf32, #tpu.memory_space<hbm>>) dst(%dma_wait3A_148 : memref<128xf32, #tpu.memory_space<vmem>>)
    %dma_wait3A_153 = arith.constant 1 : i32
    %dma_wait3A_154 = arith.constant 0 : i32
    %dma_wait3A_155 = tpu.memref_slice %arg10[%dma_wait3A_153, %dma_wait3A_154] : memref<8x128xf32, #tpu.memory_space<vmem>> -> memref<1x128xf32, #tpu.memory_space<vmem>>
    %dma_wait3A_156 = tpu.memref_squeeze %dma_wait3A_155 : memref<1x128xf32, #tpu.memory_space<vmem>> -> memref<128xf32, #tpu.memory_space<vmem>>
    %dma_wait3A_157 = arith.constant 100000 : i32
    %dma_wait3A_158 = tpu.memref_slice %arg4[%dma_wait3A_157] : memref<800000xf32, #tpu.memory_space<hbm>> -> memref<100000xf32, #tpu.memory_space<hbm>>
    %dma_wait3A_159 = arith.constant 0 : i32
    %dma_wait3A_160 = tpu.memref_slice %dma_wait3A_158[%dma_wait3A_159] : memref<100000xf32, #tpu.memory_space<hbm>> -> memref<100000xf32, #tpu.memory_space<hbm>>
    tpu.wait_indirect_dma semaphore(%arg20 : memref<!tpu.dma_semaphore, #tpu.memory_space<semaphore_mem>>) src(%dma_wait3A_160 : memref<100000xf32, #tpu.memory_space<hbm>>) dst(%dma_wait3A_156 : memref<128xf32, #tpu.memory_space<vmem>>)
    %dma_wait3A_161 = arith.constant 2 : i32
    %dma_wait3A_162 = arith.constant 0 : i32
    %dma_wait3A_163 = tpu.memref_slice %arg10[%dma_wait3A_161, %dma_wait3A_162] : memref<8x128xf32, #tpu.memory_space<vmem>> -> memref<1x128xf32, #tpu.memory_space<vmem>>
    %dma_wait3A_164 = tpu.memref_squeeze %dma_wait3A_163 : memref<1x128xf32, #tpu.memory_space<vmem>> -> memref<128xf32, #tpu.memory_space<vmem>>
    %dma_wait3A_165 = arith.constant 200000 : i32
    %dma_wait3A_166 = tpu.memref_slice %arg4[%dma_wait3A_165] : memref<800000xf32, #tpu.memory_space<hbm>> -> memref<100000xf32, #tpu.memory_space<hbm>>
    %dma_wait3A_167 = arith.constant 0 : i32
    %dma_wait3A_168 = tpu.memref_slice %dma_wait3A_166[%dma_wait3A_167] : memref<100000xf32, #tpu.memory_space<hbm>> -> memref<100000xf32, #tpu.memory_space<hbm>>
    tpu.wait_indirect_dma semaphore(%arg20 : memref<!tpu.dma_semaphore, #tpu.memory_space<semaphore_mem>>) src(%dma_wait3A_168 : memref<100000xf32, #tpu.memory_space<hbm>>) dst(%dma_wait3A_164 : memref<128xf32, #tpu.memory_space<vmem>>)
    %dma_wait3A_169 = arith.constant 3 : i32
    %dma_wait3A_170 = arith.constant 0 : i32
    %dma_wait3A_171 = tpu.memref_slice %arg10[%dma_wait3A_169, %dma_wait3A_170] : memref<8x128xf32, #tpu.memory_space<vmem>> -> memref<1x128xf32, #tpu.memory_space<vmem>>
    %dma_wait3A_172 = tpu.memref_squeeze %dma_wait3A_171 : memref<1x128xf32, #tpu.memory_space<vmem>> -> memref<128xf32, #tpu.memory_space<vmem>>
    %dma_wait3A_173 = arith.constant 300000 : i32
    %dma_wait3A_174 = tpu.memref_slice %arg4[%dma_wait3A_173] : memref<800000xf32, #tpu.memory_space<hbm>> -> memref<100000xf32, #tpu.memory_space<hbm>>
    %dma_wait3A_175 = arith.constant 0 : i32
    %dma_wait3A_176 = tpu.memref_slice %dma_wait3A_174[%dma_wait3A_175] : memref<100000xf32, #tpu.memory_space<hbm>> -> memref<100000xf32, #tpu.memory_space<hbm>>
    tpu.wait_indirect_dma semaphore(%arg20 : memref<!tpu.dma_semaphore, #tpu.memory_space<semaphore_mem>>) src(%dma_wait3A_176 : memref<100000xf32, #tpu.memory_space<hbm>>) dst(%dma_wait3A_172 : memref<128xf32, #tpu.memory_space<vmem>>)
    %dma_wait3A_177 = arith.constant 4 : i32
    %dma_wait3A_178 = arith.constant 0 : i32
    %dma_wait3A_179 = tpu.memref_slice %arg10[%dma_wait3A_177, %dma_wait3A_178] : memref<8x128xf32, #tpu.memory_space<vmem>> -> memref<1x128xf32, #tpu.memory_space<vmem>>
    %dma_wait3A_180 = tpu.memref_squeeze %dma_wait3A_179 : memref<1x128xf32, #tpu.memory_space<vmem>> -> memref<128xf32, #tpu.memory_space<vmem>>
    %dma_wait3A_181 = arith.constant 400000 : i32
    %dma_wait3A_182 = tpu.memref_slice %arg4[%dma_wait3A_181] : memref<800000xf32, #tpu.memory_space<hbm>> -> memref<100000xf32, #tpu.memory_space<hbm>>
    %dma_wait3A_183 = arith.constant 0 : i32
    %dma_wait3A_184 = tpu.memref_slice %dma_wait3A_182[%dma_wait3A_183] : memref<100000xf32, #tpu.memory_space<hbm>> -> memref<100000xf32, #tpu.memory_space<hbm>>
    tpu.wait_indirect_dma semaphore(%arg20 : memref<!tpu.dma_semaphore, #tpu.memory_space<semaphore_mem>>) src(%dma_wait3A_184 : memref<100000xf32, #tpu.memory_space<hbm>>) dst(%dma_wait3A_180 : memref<128xf32, #tpu.memory_space<vmem>>)
    %dma_wait3A_185 = arith.constant 5 : i32
    %dma_wait3A_186 = arith.constant 0 : i32
    %dma_wait3A_187 = tpu.memref_slice %arg10[%dma_wait3A_185, %dma_wait3A_186] : memref<8x128xf32, #tpu.memory_space<vmem>> -> memref<1x128xf32, #tpu.memory_space<vmem>>
    %dma_wait3A_188 = tpu.memref_squeeze %dma_wait3A_187 : memref<1x128xf32, #tpu.memory_space<vmem>> -> memref<128xf32, #tpu.memory_space<vmem>>
    %dma_wait3A_189 = arith.constant 500000 : i32
    %dma_wait3A_190 = tpu.memref_slice %arg4[%dma_wait3A_189] : memref<800000xf32, #tpu.memory_space<hbm>> -> memref<100000xf32, #tpu.memory_space<hbm>>
    %dma_wait3A_191 = arith.constant 0 : i32
    %dma_wait3A_192 = tpu.memref_slice %dma_wait3A_190[%dma_wait3A_191] : memref<100000xf32, #tpu.memory_space<hbm>> -> memref<100000xf32, #tpu.memory_space<hbm>>
    tpu.wait_indirect_dma semaphore(%arg20 : memref<!tpu.dma_semaphore, #tpu.memory_space<semaphore_mem>>) src(%dma_wait3A_192 : memref<100000xf32, #tpu.memory_space<hbm>>) dst(%dma_wait3A_188 : memref<128xf32, #tpu.memory_space<vmem>>)
    %dma_wait3A_193 = arith.constant 6 : i32
    %dma_wait3A_194 = arith.constant 0 : i32
    %dma_wait3A_195 = tpu.memref_slice %arg10[%dma_wait3A_193, %dma_wait3A_194] : memref<8x128xf32, #tpu.memory_space<vmem>> -> memref<1x128xf32, #tpu.memory_space<vmem>>
    %dma_wait3A_196 = tpu.memref_squeeze %dma_wait3A_195 : memref<1x128xf32, #tpu.memory_space<vmem>> -> memref<128xf32, #tpu.memory_space<vmem>>
    %dma_wait3A_197 = arith.constant 600000 : i32
    %dma_wait3A_198 = tpu.memref_slice %arg4[%dma_wait3A_197] : memref<800000xf32, #tpu.memory_space<hbm>> -> memref<100000xf32, #tpu.memory_space<hbm>>
    %dma_wait3A_199 = arith.constant 0 : i32
    %dma_wait3A_200 = tpu.memref_slice %dma_wait3A_198[%dma_wait3A_199] : memref<100000xf32, #tpu.memory_space<hbm>> -> memref<100000xf32, #tpu.memory_space<hbm>>
    tpu.wait_indirect_dma semaphore(%arg20 : memref<!tpu.dma_semaphore, #tpu.memory_space<semaphore_mem>>) src(%dma_wait3A_200 : memref<100000xf32, #tpu.memory_space<hbm>>) dst(%dma_wait3A_196 : memref<128xf32, #tpu.memory_space<vmem>>)
    %dma_wait3A_201 = arith.constant 7 : i32
    %dma_wait3A_202 = arith.constant 0 : i32
    %dma_wait3A_203 = tpu.memref_slice %arg10[%dma_wait3A_201, %dma_wait3A_202] : memref<8x128xf32, #tpu.memory_space<vmem>> -> memref<1x128xf32, #tpu.memory_space<vmem>>
    %dma_wait3A_204 = tpu.memref_squeeze %dma_wait3A_203 : memref<1x128xf32, #tpu.memory_space<vmem>> -> memref<128xf32, #tpu.memory_space<vmem>>
    %dma_wait3A_205 = arith.constant 700000 : i32
    %dma_wait3A_206 = tpu.memref_slice %arg4[%dma_wait3A_205] : memref<800000xf32, #tpu.memory_space<hbm>> -> memref<100000xf32, #tpu.memory_space<hbm>>
    %dma_wait3A_207 = arith.constant 0 : i32
    %dma_wait3A_208 = tpu.memref_slice %dma_wait3A_206[%dma_wait3A_207] : memref<100000xf32, #tpu.memory_space<hbm>> -> memref<100000xf32, #tpu.memory_space<hbm>>
    tpu.wait_indirect_dma semaphore(%arg20 : memref<!tpu.dma_semaphore, #tpu.memory_space<semaphore_mem>>) src(%dma_wait3A_208 : memref<100000xf32, #tpu.memory_space<hbm>>) dst(%dma_wait3A_204 : memref<128xf32, #tpu.memory_space<vmem>>)
    "tpu.region"() ({
      %run_scoped3A = tpu.sem_alloc : memref<!tpu.dma_semaphore, #tpu.memory_space<semaphore_mem>>
      %dma_start3A_209 = arith.constant 0 : i32
      %dma_start3A_210 = tpu.memref_slice %arg8[%dma_start3A_209, %mul3A_2] : memref<8x4096xf32, #tpu.memory_space<hbm>> -> memref<8x128xf32, #tpu.memory_space<hbm>>
      %dma_start3A_211 = arith.constant 0 : i32
      %dma_start3A_212 = tpu.memref_slice %arg8[%dma_start3A_211, %mul3A_2] : memref<8x4096xf32, #tpu.memory_space<hbm>> -> memref<8x128xf32, #tpu.memory_space<hbm>>
      tpu.enqueue_dma source(%arg10 : memref<8x128xf32, #tpu.memory_space<vmem>>) target(%dma_start3A_212 : memref<8x128xf32, #tpu.memory_space<hbm>>) target_semaphore(%run_scoped3A : memref<!tpu.dma_semaphore, #tpu.memory_space<semaphore_mem>>)
      %dma_wait3A_213 = arith.constant 0 : i32
      %dma_wait3A_214 = tpu.memref_slice %arg8[%dma_wait3A_213, %mul3A_2] : memref<8x4096xf32, #tpu.memory_space<hbm>> -> memref<8x128xf32, #tpu.memory_space<hbm>>
      %dma_wait3A_215 = arith.constant 0 : i32
      %dma_wait3A_216 = tpu.memref_slice %arg8[%dma_wait3A_215, %mul3A_2] : memref<8x4096xf32, #tpu.memory_space<hbm>> -> memref<8x128xf32, #tpu.memory_space<hbm>>
      tpu.wait_dma2 semaphore(%run_scoped3A : memref<!tpu.dma_semaphore, #tpu.memory_space<semaphore_mem>>) src(%arg10 : memref<8x128xf32, #tpu.memory_space<vmem>>) dst(%dma_wait3A_216 : memref<8x128xf32, #tpu.memory_space<hbm>>)
      tpu.yield
    }) : () -> ()
    return
  }
}

</mosaic_0001>

<sc_bundles>
// kernel: kernel.3.cloned.1.call-start
scs
__scs_entry_jumppad:
0x0: {  	(pc) =	sbr.rel $0x88, $3  }
0x1: {  	(tag) =	ssettag $0x0;
	lr =	simm.s32 $0x1  }
0x2: {  	[smem:$0x3F9D] =	sst lr;
	_ =	strace $0xD0000000  }
0x3: {  	_ = 	snop  }
0x4: {  	_ = 	snop  }
0x5: {  	_ = 	snop  }
0x6: {  	_ = 	snop  }
0x7: {  	_ = 	snop  }
__scs_overlays_trampoline_lowered:
0x8: {  	[smem:$0x3FAC] =	sst s0  }
0x9: {  	[smem:$0x3FAD] =	sst s1  }
0xa: {  	[smem:$0x3FAE] =	sst s2  }
0xb: {  	[smem:$0x3FAF] =	sst s3  }
0xc: {  	[smem:$0x3FB0] =	sst s4  }
0xd: {  	[smem:$0x3FB1] =	sst s5  }
0xe: {  	[smem:$0x3FB2] =	sst s6  }
0xf: {  	[smem:$0x3FB3] =	sst s7  }
0x10: {  	[smem:$0x3FB4] =	sst s8  }
0x11: {  	[smem:$0x3FB5] =	sst s9;
	s0 =	simm.s32 @!p0 $0x0  }
0x12: {  	s1 =	sld [smem:$0x3F9B];
	s0 =	simm.s32 @p0 $0x1  }
0x13: {  	[smem:$0x3FB6] =	sst s0;
	s0 =	simm.s32 @!p1 $0x0  }
0x14: {  	s2 =	sld [smem:$0x3F9A];
	s0 =	simm.s32 @p1 $0x1  }
0x15: {  	[smem:$0x3FB7] =	sst s0;
	s0 =	simm.s32 @!p2 $0x0  }
0x16: {  	s3 =	sld [smem:$0x3FDB];
	s0 =	simm.s32 @p2 $0x1  }
0x17: {  	s4 =	simm.s32 $0x1BF5;
	[smem:$0x3FB9] =	sst s0  }
0x18: {  	s0 =	sld [smem:$0x3F9C];
	_ =	swait.ge [sflag:s4], $0x0  }
0x19: {  	s7 =	sld [smem:$0x3F9D]  }
0x1a: {  	s8 =	sadd.s32 $0xFFFFE003, lr  }
0x1b: {  	s9 =	sadd.s32 $0xFFFFFEF7, lr;
	s5 =	simm.s32 $0xFFFFFFFF;
	p2 =	slt.u32 s8, $0xFFFFF086  }
0x1c: {  	p1 =	slt.u32 s9, $0xF7A;
	s5 =	simm.s32 @!p2 $0x0  }
0x1d: {  	s5 =	simm.s32 @p1 $0x1;
	p0 =	seq.s32 s7, s2  }
0x1e: {  	s7 =	smul.u32 @!p0 $0xF7A, s2;
	p2 =	seq.s32 @!p0 s5, $0x0  }
0x1f: {  	s9 =	smul.u32 $0xF7A, s1;
	s8 =	simm.s32 @!p0 $0x1BF5;
	p2 =	por !p2, p0  }
0x20: {  	[sflag:s8] =	ssyncset.s32 @!p0 $0xFFFFF086;
	s6 =	sadd.s32 @!p0 s3, s7;
	s7 =	simm.s32 @!p0 $0x108  }
0x21: {  	s3 =	sadd.s32 s3, s9;
	s6 =	sadd.s32 @!p0 $0x88, s6;
	s7 =	simm.s32 @p2 $0x1082  }
0x22: {  	[simem:s7], [sflag:s8] =	dma.local @!p0 [hbm:s6], $0xF7A  }
0x23: {  	s9 =	sor.u32 $0xD0000000, s2;
	s6 =	simm.s32 $0x108;
	_ =	swait.ge @!p0 [sflag:s8], $0x0  }
0x24: {  	s3 =	sadd.s32 $0x88, s3;
	s6 =	simm.s32 @!p1 $0x1082;
	[sflag:s4] =	ssyncset.s32 $0xFFFFF086  }
0x25: {  	[simem:s6], [sflag:s4] =	dma.local [hbm:s3], $0xF7A  }
0x26: {  	[smem:$0x3F9D] =	sst s1;
	(tag) =	ssettag s2;
	_ =	strace s9  }
0x27: {  	s1 =	sld [smem:$0x3FAD]  }
0x28: {  	s2 =	sld [smem:$0x3FAE]  }
0x29: {  	s4 =	sld [smem:$0x3FB0]  }
0x2a: {  	p0 =	seq.s32 s5, $0x0;
	s5 =	sld [smem:$0x3FB1]  }
0x2b: {  	s6 =	sld [smem:$0x3FB2]  }
0x2c: {  	s7 =	sld [smem:$0x3FB3]  }
0x2d: {  	s3 =	simm.s32 $0x108;
	s8 =	sld [smem:$0x3FB4]  }
0x2e: {  	s3 =	simm.s32 @!p0 $0x1082;
	s9 =	sld [smem:$0x3FB5]  }
0x2f: {  	lr =	sadd.s32 s0, s3;
	s0 =	sld [smem:$0x3FAC]  }
0x30: {  	s3 =	sld [smem:$0x3FAF]  }
0x31: {  	[smem:$0x3FB8] =	sst s10  }
0x32: {  	s10 =	sld [smem:$0x3FB6];
	_ =	sdelay $0x3  }
0x33: {  	p0 =	seq.s32 s10, $0x1;
	s10 =	sld [smem:$0x3FB8];
	_ =	sdelay $0x3  }
0x34: {  	[smem:$0x3FB8] =	sst s10  }
0x35: {  	s10 =	sld [smem:$0x3FB7];
	_ =	sdelay $0x3  }
0x36: {  	p1 =	seq.s32 s10, $0x1;
	s10 =	sld [smem:$0x3FB8];
	_ =	sdelay $0x3  }
0x37: {  	[smem:$0x3FB8] =	sst s10  }
0x38: {  	s10 =	sld [smem:$0x3FB9]  }
0x39: {  	_ = 	snop;
	(pc) =	sbr.ind lr, $3  }
0x3a: {  	_ = 	snop  }
0x3b: {  	_ = 	snop  }
0x3c: {  	p2 =	seq.s32 s10, $0x1;
	s10 =	sld [smem:$0x3FB8]  }
0x3d: {  	_ =	shalt  }
0x3e: {  	_ =	shalt  }
0x3f: {  	_ =	shalt  }
0x40: {  	_ =	shalt  }
0x41: {  	_ =	shalt  }
0x42: {  	_ =	shalt  }
0x43: {  	_ =	shalt  }
0x44: {  	_ =	shalt  }
0x45: {  	_ =	shalt  }
0x46: {  	_ =	shalt  }
0x47: {  	_ =	shalt  }
0x48: {  	_ =	shalt  }
0x49: {  	_ =	shalt  }
0x4a: {  	_ =	shalt  }
0x4b: {  	_ =	shalt  }
0x4c: {  	_ =	shalt  }
0x4d: {  	_ =	shalt  }
0x4e: {  	_ =	shalt  }
0x4f: {  	_ =	shalt  }
0x50: {  	_ =	shalt  }
0x51: {  	_ =	shalt  }
0x52: {  	_ =	shalt  }
0x53: {  	_ =	shalt  }
0x54: {  	_ =	shalt  }
0x55: {  	_ =	shalt  }
0x56: {  	_ =	shalt  }
0x57: {  	_ =	shalt  }
0x58: {  	_ =	shalt  }
0x59: {  	_ =	shalt  }
0x5a: {  	_ =	shalt  }
0x5b: {  	_ =	shalt  }
0x5c: {  	_ =	shalt  }
0x5d: {  	_ =	shalt  }
0x5e: {  	_ =	shalt  }
0x5f: {  	_ =	shalt  }
0x60: {  	_ =	shalt  }
0x61: {  	_ =	shalt  }
0x62: {  	_ =	shalt  }
0x63: {  	_ =	shalt  }
0x64: {  	_ =	shalt  }
0x65: {  	_ =	shalt  }
0x66: {  	_ =	shalt  }
0x67: {  	_ =	shalt  }
0x68: {  	_ =	shalt  }
0x69: {  	_ =	shalt  }
0x6a: {  	_ =	shalt  }
0x6b: {  	_ =	shalt  }
0x6c: {  	_ =	shalt  }
0x6d: {  	_ =	shalt  }
0x6e: {  	_ =	shalt  }
0x6f: {  	_ =	shalt  }
0x70: {  	_ =	shalt  }
0x71: {  	_ =	shalt  }
0x72: {  	_ =	shalt  }
0x73: {  	_ =	shalt  }
0x74: {  	_ =	shalt  }
0x75: {  	_ =	shalt  }
0x76: {  	_ =	shalt  }
0x77: {  	_ =	shalt  }
0x78: {  	_ =	shalt  }
0x79: {  	_ =	shalt  }
0x7a: {  	_ =	shalt  }
0x7b: {  	_ =	shalt  }
0x7c: {  	_ =	shalt  }
0x7d: {  	_ =	shalt  }
0x7e: {  	_ =	shalt  }
0x7f: {  	_ =	shalt  }
0x80: {  	_ =	shalt  }
0x81: {  	_ =	shalt  }
0x82: {  	_ =	shalt  }
0x83: {  	_ =	shalt  }
0x84: {  	_ =	shalt  }
0x85: {  	_ =	shalt  }
0x86: {  	_ =	shalt  }
0x87: {  	_ =	shalt  }
.Lfunc_end0:
.L_simem_size_0:
called_computation_lowered:
.L_overlay_start_0:
0x88: {  	s2 =	sld [smem:$0x3FD9]  }
0x89: {  	s3 =	sld [smem:$0x3FFE];
	_ =	sdelay $0x1  }
0x8a: {  	s1 =	srdreg.scid  }
0x8b: {  	s0 =	sand.u32 $0x1, s1  }
0x8c: {  	s14 =	sshll.u32 s0, $0xA;
	s2 =	sadd.s32 s3, s2  }
0x8d: {  	s2 =	sadd.s32 s2, s14  }
0x8e: {  	[smem:$0x3FC4] =	sst s2  }
0x8f: {  	_ = 	snop  }
0x90: {  	s2 =	sld [smem:$0x3FD0]  }
0x91: {  	s15 =	sld [smem:$0x3FC9]  }
0x92: {  	s4 =	sld [smem:$0x3FC8]  }
0x93: {  	s6 =	simm.s32 $0xA;
	s7 =	simm.s32 $0x10;
	s5 =	sld [smem:$0x3FC6]  }
0x94: {  	[smem:s7], [sflag:s6] =	dma.local [hbm:s2], $0x1  }
0x95: {  	_ =	swait.eq [sflag:s6], $0x1  }
0x96: {  	s16 =	sld [smem:$0x10];
	[sflag:s6] =	ssyncset.done $0x0  }
0x97: {  	s17 =	sld [smem:$0x11];
	[sflag:s6] =	ssyncadd.s32 $0xFFFFFFFF  }
0x98: {  	s18 =	sld [smem:$0x12];
	(tm) =	ssettm $0x1  }
0x99: {  	s8 =	sld [smem:$0x3FFB];
	_ =	sdelay $0x3  }
0x9a: {  	_ =	strace s8  }
0x9b: {  	s8 =	sld [smem:$0x3FFC];
	_ =	sdelay $0x3  }
0x9c: {  	_ =	strace s8  }
0x9d: {  	s8 =	sld [smem:$0x3FFD];
	_ =	sdelay $0x3  }
0x9e: {  	_ =	strace s8  }
0x9f: {  	_ =	strace $0x8FFFFFFF  }
0xa0: {  	s19 =	sld [smem:$0x3FDB];
	_ =	sdelay $0x1  }
0xa1: {  	s9 =	simm.s32 $_scs_section_size  }
0xa2: {  	s10 =	simm.s32 $_size__tile_overlayer_lowered;
	s11 =	simm.s32 $_tile_overlayer_lowered  }
0xa3: {  	s22 =	simm.s32 $0x1BFF;
	s21 =	sshll.u32 s11, $0x1;
	s8 =	sadd.s32 s9, s19  }
0xa4: {  	s12 =	simm.s32 $0x0;
	s20 =	sshll.u32 s10, $0x1;
	s10 =	sadd.s32 s21, s8  }
0xa5: {  	[timem:s12], [sflag:s22] =	dma.local [hbm:s10], s20  }
0xa6: {  	_ =	swait.ge [sflag:s22], s20  }
0xa7: {  	s9 =	ssub.s32 $0x0, s20;
	[sflag:s22] =	ssyncset.done $0x0  }
0xa8: {  	[sflag:s22] =	ssyncadd.s32 s9;
	_ =	sdelay $0x1  }
0xa9: {  	s23 =	simm.s32 $0x1B8B  }
0xaa: {  	_ =	swait.ge [sflag:s23], $0x1  }
0xab: {  	[sflag:s23] =	ssyncset.done $0x0  }
0xac: {  	s25 =	simm.s32 $0x1B8E;
	s24 =	sld [smem:$0x3FFE];
	[sflag:s23] =	ssyncadd.s32 $0xFFFFFFFF  }
0xad: {  	s26 =	simm.s32 $execute0_lowered;
	[smem:$0x3FD2] =	sst s25  }
0xae: {  	s10 =	sshll.u32 s26, $0x1;
	_ =	strace $0x80000046;
	[dreg:$0x1] =	wrdreg $0xFFFFFFFF  }
0xaf: {  	s28 =	simm.s32 $_size_execute0_lowered;
	s8 =	sadd.s32 s8, s10;
	[dreg:$0x0] =	wrdreg $0x0  }
0xb0: {  	s10 =	sshll.u32 s28, $0x1;
	[dreg:$0x2] =	wrdreg s8  }
0xb1: {  	[dreg:$0x3] =	wrdreg s10  }
0xb2: {  	[dreg:$0x4] =	wrdreg $0xC0  }
0xb3: {  	_ =	task [dreg:s12], $0x5FFFF  }
0xb4: {  	[dreg:$0x1] =	wrdreg $0xFFFFFFFF  }
0xb5: {  	[dreg:$0x0] =	wrdreg $0x60  }
0xb6: {  	[dreg:$0x2] =	wrdreg s15  }
0xb7: {  	[dreg:$0x3] =	wrdreg s4  }
0xb8: {  	[dreg:$0x4] =	wrdreg s24  }
0xb9: {  	[dreg:$0x5] =	wrdreg s5  }
0xba: {  	[dreg:$0x6] =	wrdreg s16  }
0xbb: {  	[dreg:$0x7] =	wrdreg s17  }
0xbc: {  	[dreg:$0x8] =	wrdreg s18  }
0xbd: {  	[dreg:$0x9] =	wrdreg $0x9  }
0xbe: {  	_ =	task.clear_ibuf [dreg:s12], $0xAFFFF;
	_ =	strace $0x90000046  }
0xbf: {  	s29 =	simm.s32 $0x9;
	_ =	strace $0x80000048  }
0xc0: {  	_ =	swait.ge [sflag:s29], $0x1  }
0xc1: {  	[sflag:s29] =	ssyncadd.s32 $0xFFFFFFFF  }
0xc2: {  	_ =	strace $0x90000048  }
0xc3: {  	_ =	sfence  }
0xc4: {  	s30 =	sld [smem:$0x0];
	_ =	sdelay $0x2  }
0xc5: {  	s31 =	sshll.u32 s1, $0xD;
	s1 =	sshrl.u32 s1, $0x2  }
0xc6: {  	s3 =	sand.u32 $0x4000, s31;
	s1 =	sadd.s32 s1, s30  }
0xc7: {  	s0 =	sor.u32 s3, s0;
	s1 =	sshll.u32 s1, $0x11  }
0xc8: {  	s0 =	sor.u32 s1, s0  }
0xc9: {  	s0 =	sadd.s32 $0x8F2B, s0  }
0xca: {  	[sflag:s0] =	ssyncadd.remote.s32 $0x1  }
0xcb: {  	_ =	sfence.sel $0xFFFF  }
0xcc: {  	[dreg:$0x0] =	wrdreg $0xFFFFFFFF;
	(pc) =	sbr.abs _section_cstart, $3  }
0xcd: {  	[dreg:$0x1] =	wrdreg $0xFFFFFFFF  }
0xce: {  	_ =	task.clear_ibuf [dreg:s12], $0x2FFFF;
	_ =	strace $0x9FFFFFFF  }
0xcf: {  	(tm) =	ssettm $0x7FFFFFFF  }
tec
execute0_lowered:
.L_overlay_start_1:
0x0: {  	(tag) =	ssettag $0x1  }
0x1: {  	s0 =	rddreg [dreg:$0x0]  }
0x2: {  	s1 =	rddreg [dreg:$0x1]  }
0x3: {  	s3 =	rddreg [dreg:$0x2]  }
0x4: {  	s5 =	rddreg [dreg:$0x3]  }
0x5: {  	s6 =	rddreg [dreg:$0x4]  }
0x6: {  	s7 =	rddreg [dreg:$0x5]  }
0x7: {  	s8 =	rddreg [dreg:$0x6];
	s4 =	simm.s32 $0x0  }
0x8: {  	[smem:$0x7FF] =	sst s4;
	s17 =	sadd.s32 $0x800, s3  }
0x9: {  	s18 =	sadd.s32 $0x38D4, s3;
	_ =	strace $0x80000047;
	[dreg:$0x8] =	wrdreg s17  }
0xa: {  	s19 =	sadd.s32 $0x69A8, s3;
	[dreg:$0xa] =	wrdreg s18  }
0xb: {  	s20 =	sadd.s32 $0x9A7C, s3;
	[dreg:$0xb] =	wrdreg s19  }
0xc: {  	s21 =	sadd.s32 $0xCB50, s3;
	[dreg:$0xc] =	wrdreg s20  }
0xd: {  	s22 =	sadd.s32 $0xFC24, s3;
	[dreg:$0xd] =	wrdreg s21  }
0xe: {  	s23 =	sadd.s32 $0x12CF8, s3;
	[dreg:$0xe] =	wrdreg s22  }
0xf: {  	s3 =	sadd.s32 $0x15DCC, s3;
	[dreg:$0xf] =	wrdreg s23  }
0x10: {  	s12 =	simm.s32 $0x200;
	[dreg:$0x10] =	wrdreg s3  }
0x11: {  	s13 =	simm.s32 $0x280;
	[dreg:$0x18] =	wrdreg s12  }
0x12: {  	s14 =	simm.s32 $0x300;
	[dreg:$0x19] =	wrdreg s13  }
0x13: {  	s15 =	simm.s32 $0x380;
	[dreg:$0x1a] =	wrdreg s14  }
0x14: {  	s16 =	simm.s32 $0x400;
	[dreg:$0x1b] =	wrdreg s15  }
0x15: {  	[dreg:$0x1c] =	wrdreg s16;
	s17 =	simm.s32 $0x8C80  }
0x16: {  	s18 =	simm.s32 $0x9480;
	[dreg:$0x1d] =	wrdreg s17  }
0x17: {  	s19 =	simm.s32 $0x9C80;
	[dreg:$0x1e] =	wrdreg s18  }
0x18: {  	s20 =	simm.s32 $0xA480;
	[dreg:$0x1f] =	wrdreg s19  }
0x19: {  	s21 =	simm.s32 $0xAC80;
	[smem:$0x7E3] =	sst s20  }
0x1a: {  	s2 =	srdreg.scid;
	s22 =	simm.s32 $0xB480;
	[smem:$0x7E4] =	sst s21  }
0x1b: {  	s9 =	stileid.u32;
	s23 =	simm.s32 $0xBC80;
	[smem:$0x7E5] =	sst s22  }
0x1c: {  	s28 =	simm.s32 $0x1;
	s12 =	simm.s32 $0x10C80;
	[smem:$0x7E6] =	sst s23  }
0x1d: {  	s31 =	simm.s32 $0x4;
	s13 =	simm.s32 $0x11480;
	[smem:$0x7EF] =	sst s12  }
0x1e: {  	s2 =	sand.u32 $0x1, s2;
	s14 =	simm.s32 $0x11C80;
	[smem:$0x7F0] =	sst s13  }
0x1f: {  	s9 =	sshll.u32 s9, $0x8;
	s15 =	simm.s32 $0x12480;
	[smem:$0x7F1] =	sst s14  }
0x20: {  	s10 =	sshll.u32 s2, $0x7;
	s16 =	simm.s32 $0x12C80;
	[smem:$0x7F2] =	sst s15  }
0x21: {  	s9 =	sor.u32 s10, s9;
	s10 =	simm.s32 $0x100;
	[smem:$0x7F3] =	sst s16  }
0x22: {  	s29 =	simm.s32 $0x5C80;
	s17 =	simm.s32 $0x13480;
	[dreg:$0x16] =	wrdreg s10  }
0x23: {  	s30 =	simm.s32 $0x6480;
	s18 =	simm.s32 $0x13C80;
	[smem:$0x7F4] =	sst s17  }
0x24: {  	s2 =	ssub.s32 $0x2, s2;
	s19 =	simm.s32 $0x14480;
	[smem:$0x7F5] =	sst s18  }
0x25: {  	s3 =	simm.s32 $0x7480;
	s20 =	simm.s32 $0x14C80;
	[smem:$0x7F6] =	sst s19  }
0x26: {  	s21 =	simm.s32 $0x15480;
	s22 =	simm.s32 $0x15C80;
	[smem:$0x7F7] =	sst s20  }
0x27: {  	s23 =	simm.s32 $0x16480;
	s16 =	simm.s32 $0xC80;
	[smem:$0x7F8] =	sst s21  }
0x28: {  	s11 =	sshrl.u32 s9, $0x3;
	s24 =	sshll.u32 s9, $0x6;
	[smem:$0x7F9] =	sst s22  }
0x29: {  	s9 =	sadd.s32 s8, s9;
	s8 =	simm.s32 $0xE480;
	[smem:$0x7FA] =	sst s23  }
0x2a: {  	s10 =	simm.s32 $0xF480;
	s17 =	simm.s32 $0x1480;
	[dreg:$0x15] =	wrdreg s9  }
0x2b: {  	s18 =	simm.s32 $0x1C80;
	s19 =	simm.s32 $0x2480;
	[smem:$0x7EB] =	sst s8  }
0x2c: {  	s20 =	simm.s32 $0x2C80;
	s5 =	sadd.s32 s5, s11;
	[smem:$0x7ED] =	sst s10  }
0x2d: {  	s21 =	simm.s32 $0x3480;
	s25 =	sadd.s32 s6, s24;
	[dreg:$0x9] =	wrdreg s5  }
0x2e: {  	s22 =	simm.s32 $0x3C80;
	s26 =	sadd.s32 s7, s24;
	[dreg:$0x11] =	wrdreg s25  }
0x2f: {  	s23 =	simm.s32 $0x4480;
	s11 =	simm.s32 $0x180;
	[dreg:$0x12] =	wrdreg s26  }
0x30: {  	s9 =	simm.s32 $0xEC80;
	s8 =	simm.s32 $0x8;
	[dreg:$0x17] =	wrdreg s11  }
0x31: {  	s5 =	sor.u32 $0x1000, s24;
	s24 =	simm.s32 $0xC480;
	[smem:$0x7EC] =	sst s9  }
0x32: {  	s10 =	simm.s32 $0x7C80;
	s25 =	simm.s32 $0xCC80;
	[smem:$0x7E7] =	sst s24  }
0x33: {  	s26 =	sshrl.u32 s2, $0x1;
	s11 =	simm.s32 $0xFC80;
	[smem:$0x7E8] =	sst s25  }
0x34: {  	s9 =	simm.s32 $0x480;
	s6 =	sadd.s32 s6, s5;
	[smem:$0x7EE] =	sst s11  }
0x35: {  	s7 =	sadd.s32 s7, s5;
	s2 =	ssub.s32 s2, s26;
	[dreg:$0x13] =	wrdreg s6  }
0x36: {  	s5 =	sadd.s32 $0x100, s0;
	s24 =	simm.s32 $0x16C80;
	[dreg:$0x14] =	wrdreg s7  }
0x37: {  	s25 =	simm.s32 $0x17480;
	s26 =	simm.s32 $0x17C80;
	[smem:$0x7FB] =	sst s24  }
0x38: {  	s11 =	simm.s32 $0x7;
	s6 =	simm.s32 $0xD480;
	[smem:$0x7FC] =	sst s25  }
0x39: {  	v2 =	vlaneseq.u32;
	s7 =	simm.s32 $0xDC80;
	[smem:$0x7FD] =	sst s26;
	s25 =	simm.s32 $0x80  }
0x3a: {  	vm0 =	vmmov $0xffff;
	v1 =	vshrl.u32 v2, $0x3;
	s24 =	simm.s32 $0x4C80;
	s26 =	simm.s32 $0x5480;
	[smem:$0x7E9] =	sst s6  }
0x3b: {  	v0 =	vand.u32 $0x7, v2;
	v2 =	vor.u32 $0x8, v2;
	v1 =	vmul.u32 $0x8, v1;
	[smem:$0x7EA] =	sst s7;
	s6 =	sadd.s32 $0x100, s1;
	s7 =	smax.u32 s2, $0x1  }
.LBB2_1:
0x3c: {  	s12 =	rddreg [dreg:$0x9]  }
0x3d: {  	[tilespmem:s4], [sflag:$0x8] =	stream.linear.gather [hbm4b:s12+s4], $0x80, $0x38;
	[tilespmem:$0x18480] =	vst v63  }
0x3e: {  	_ =	swait.ge [sflag:s8], $0x80  }
0x3f: {  	[sflag:s8] =	ssyncset.done $0x0  }
0x40: {  	[sflag:s8] =	ssyncadd.s32 $0xFFFFFF80  }
0x41: {  	v3 =	vld [tilespmem:$0x0];
	_ =	sdelay $0x4  }
0x42: {  	v4 =	vshll.u32 v3, $0x2  }
0x43: {  	v3 =	vand.u32 $0x7, v3;
	v4 =	vand.u32 $0xFFFFFFE0, v4  }
0x44: {  	v3 =	vor.u32 v3, v4  }
0x45: {  	v4 =	vperm.xlane v3, v0;
	_ =	sdelay $0x1  }
0x46: {  	v4 =	vadd.s32 v1, v4;
	_ =	sdelay $0x1  }
0x47: {  	v3 =	vperm.xlane v3, v2;
	_ =	sdelay $0x1  }
0x48: {  	v3 =	vadd.s32 v1, v3  }
0x49: {  	[tilespmem:s9], [sflag:$0x1] =	stream.indirect_vreg.gather [hbm4b:s0+s4], $0x80, v4, vm0, $0xb8;
	[tilespmem:$0x18480] =	vst v63  }
0x4a: {  	_ = 	snop  }
0x4b: {  	[tilespmem:s16], [sflag:$0x1] =	stream.indirect_vreg.gather [hbm4b:s5+s4], $0x80, v4, vm0, $0xb8;
	[tilespmem:$0x18480] =	vst v63  }
0x4c: {  	_ = 	snop  }
0x4d: {  	[tilespmem:s17], [sflag:$0x1] =	stream.indirect_vreg.gather [hbm4b:s0+s4], $0x80, v3, vm0, $0xb8;
	[tilespmem:$0x18480] =	vst v63  }
0x4e: {  	_ = 	snop  }
0x4f: {  	[tilespmem:s18], [sflag:$0x1] =	stream.indirect_vreg.gather [hbm4b:s5+s4], $0x80, v3, vm0, $0xb8;
	[tilespmem:$0x18480] =	vst v63  }
0x50: {  	v3 =	vld [tilespmem:$0x10];
	_ =	sdelay $0x4  }
0x51: {  	v49 =	vshll.u32 v3, $0x2  }
0x52: {  	v3 =	vand.u32 $0x7, v3;
	v4 =	vand.u32 $0xFFFFFFE0, v49  }
0x53: {  	v3 =	vor.u32 v3, v4  }
0x54: {  	v4 =	vperm.xlane v3, v0;
	_ =	sdelay $0x1  }
0x55: {  	v4 =	vadd.s32 v1, v4;
	_ =	sdelay $0x1  }
0x56: {  	v3 =	vperm.xlane v3, v2;
	_ =	sdelay $0x1  }
0x57: {  	v3 =	vadd.s32 v1, v3  }
0x58: {  	[tilespmem:s19], [sflag:$0x1] =	stream.indirect_vreg.gather [hbm4b:s0+s4], $0x80, v4, vm0, $0xb8;
	[tilespmem:$0x18480] =	vst v63  }
0x59: {  	_ = 	snop  }
0x5a: {  	[tilespmem:s20], [sflag:$0x1] =	stream.indirect_vreg.gather [hbm4b:s5+s4], $0x80, v4, vm0, $0xb8;
	[tilespmem:$0x18480] =	vst v63  }
0x5b: {  	_ = 	snop  }
0x5c: {  	[tilespmem:s21], [sflag:$0x1] =	stream.indirect_vreg.gather [hbm4b:s0+s4], $0x80, v3, vm0, $0xb8;
	[tilespmem:$0x18480] =	vst v63  }
0x5d: {  	_ = 	snop  }
0x5e: {  	[tilespmem:s22], [sflag:$0x1] =	stream.indirect_vreg.gather [hbm4b:s5+s4], $0x80, v3, vm0, $0xb8;
	[tilespmem:$0x18480] =	vst v63  }
0x5f: {  	v3 =	vld [tilespmem:$0x20];
	_ =	sdelay $0x4  }
0x60: {  	v50 =	vshll.u32 v3, $0x2  }
0x61: {  	v3 =	vand.u32 $0x7, v3;
	v4 =	vand.u32 $0xFFFFFFE0, v50  }
0x62: {  	v3 =	vor.u32 v3, v4  }
0x63: {  	v4 =	vperm.xlane v3, v0;
	_ =	sdelay $0x1  }
0x64: {  	v4 =	vadd.s32 v1, v4;
	_ =	sdelay $0x1  }
0x65: {  	v3 =	vperm.xlane v3, v2;
	_ =	sdelay $0x1  }
0x66: {  	v3 =	vadd.s32 v1, v3  }
0x67: {  	[tilespmem:s23], [sflag:$0x1] =	stream.indirect_vreg.gather [hbm4b:s0+s4], $0x80, v4, vm0, $0xb8;
	[tilespmem:$0x18480] =	vst v63  }
0x68: {  	_ = 	snop  }
0x69: {  	[tilespmem:s24], [sflag:$0x1] =	stream.indirect_vreg.gather [hbm4b:s5+s4], $0x80, v4, vm0, $0xb8;
	[tilespmem:$0x18480] =	vst v63  }
0x6a: {  	_ = 	snop  }
0x6b: {  	[tilespmem:s26], [sflag:$0x1] =	stream.indirect_vreg.gather [hbm4b:s0+s4], $0x80, v3, vm0, $0xb8;
	[tilespmem:$0x18480] =	vst v63  }
0x6c: {  	_ = 	snop  }
0x6d: {  	[tilespmem:s29], [sflag:$0x1] =	stream.indirect_vreg.gather [hbm4b:s5+s4], $0x80, v3, vm0, $0xb8;
	[tilespmem:$0x18480] =	vst v63  }
0x6e: {  	v3 =	vld [tilespmem:$0x30];
	_ =	sdelay $0x4  }
0x6f: {  	v51 =	vshll.u32 v3, $0x2  }
0x70: {  	v3 =	vand.u32 $0x7, v3;
	v4 =	vand.u32 $0xFFFFFFE0, v51  }
0x71: {  	v3 =	vor.u32 v3, v4  }
0x72: {  	v4 =	vperm.xlane v3, v0;
	_ =	sdelay $0x1  }
0x73: {  	v4 =	vadd.s32 v1, v4;
	_ =	sdelay $0x1  }
0x74: {  	v3 =	vperm.xlane v3, v2;
	_ =	sdelay $0x1  }
0x75: {  	v3 =	vadd.s32 v1, v3  }
0x76: {  	[tilespmem:s30], [sflag:$0x1] =	stream.indirect_vreg.gather [hbm4b:s0+s4], $0x80, v4, vm0, $0xb8;
	[tilespmem:$0x18480] =	vst v63  }
0x77: {  	s2 =	simm.s32 $0x6C80;
	s15 =	rddreg [dreg:$0x8]  }
0x78: {  	[tilespmem:s2], [sflag:$0x1] =	stream.indirect_vreg.gather [hbm4b:s5+s4], $0x80, v4, vm0, $0xb8;
	[tilespmem:$0x18480] =	vst v63  }
0x79: {  	s13 =	rddreg [dreg:$0xa]  }
0x7a: {  	[tilespmem:s3], [sflag:$0x1] =	stream.indirect_vreg.gather [hbm4b:s0+s4], $0x80, v3, vm0, $0xb8;
	[tilespmem:$0x18480] =	vst v63  }
0x7b: {  	s14 =	rddreg [dreg:$0x16]  }
0x7c: {  	[tilespmem:s10], [sflag:$0x1] =	stream.indirect_vreg.gather [hbm4b:s5+s4], $0x80, v3, vm0, $0xb8;
	[tilespmem:$0x18480] =	vst v63  }
0x7d: {  	s12 =	rddreg [dreg:$0xb]  }
0x7e: {  	[tilespmem:s25], [sflag:$0x7] =	stream.indirect.gather [hbm4b:s15+s25], $0x1, s4, s25, $0xb8;
	[tilespmem:$0x18480] =	vst v63  }
0x7f: {  	s15 =	rddreg [dreg:$0x18]  }
0x80: {  	[tilespmem:s14], [sflag:$0x7] =	stream.indirect.gather [hbm4b:s13+s25], $0x1, s4, s25, $0xb8;
	[tilespmem:$0x18480] =	vst v63  }
0x81: {  	s13 =	rddreg [dreg:$0x17]  }
0x82: {  	s14 =	rddreg [dreg:$0xc]  }
0x83: {  	[tilespmem:s13], [sflag:$0x7] =	stream.indirect.gather [hbm4b:s12+s25], $0x1, s4, s25, $0xb8;
	[tilespmem:$0x18480] =	vst v63  }
0x84: {  	s12 =	rddreg [dreg:$0xd]  }
0x85: {  	s13 =	rddreg [dreg:$0x19]  }
0x86: {  	[tilespmem:s15], [sflag:$0x7] =	stream.indirect.gather [hbm4b:s14+s25], $0x1, s4, s25, $0xb8;
	[tilespmem:$0x18480] =	vst v63  }
0x87: {  	s14 =	rddreg [dreg:$0xe]  }
0x88: {  	s15 =	rddreg [dreg:$0x1a]  }
0x89: {  	[tilespmem:s13], [sflag:$0x7] =	stream.indirect.gather [hbm4b:s12+s25], $0x1, s4, s25, $0xb8;
	[tilespmem:$0x18480] =	vst v63  }
0x8a: {  	s12 =	rddreg [dreg:$0xf]  }
0x8b: {  	s13 =	rddreg [dreg:$0x1b]  }
0x8c: {  	[tilespmem:s15], [sflag:$0x7] =	stream.indirect.gather [hbm4b:s14+s25], $0x1, s4, s25, $0xb8;
	[tilespmem:$0x18480] =	vst v63  }
0x8d: {  	s14 =	rddreg [dreg:$0x10]  }
0x8e: {  	[tilespmem:s13], [sflag:$0x7] =	stream.indirect.gather [hbm4b:s12+s25], $0x1, s4, s25, $0xb8;
	[tilespmem:$0x18480] =	vst v63  }
0x8f: {  	s15 =	rddreg [dreg:$0x1c]  }
0x90: {  	[tilespmem:s15], [sflag:$0x7] =	stream.indirect.gather [hbm4b:s14+s25], $0x1, s4, s25, $0xb8;
	[tilespmem:$0x18480] =	vst v63  }
0x91: {  	v3 =	vld [tilespmem:$0x0];
	_ =	sdelay $0x4  }
0x92: {  	v52 =	vshll.u32 v3, $0x2  }
0x93: {  	v3 =	vand.u32 $0x7, v3;
	v4 =	vand.u32 $0xFFFFFFE0, v52  }
0x94: {  	v3 =	vor.u32 v3, v4  }
0x95: {  	v4 =	vperm.xlane v3, v0;
	_ =	sdelay $0x1  }
0x96: {  	v4 =	vadd.s32 v1, v4;
	_ =	sdelay $0x1  }
0x97: {  	v3 =	vperm.xlane v3, v2;
	_ =	sdelay $0x1  }
0x98: {  	s14 =	simm.s32 $0x8480;
	v3 =	vadd.s32 v1, v3  }
0x99: {  	[tilespmem:s14], [sflag:$0x2] =	stream.indirect_vreg.gather [hbm4b:s1+s4], $0x80, v4, vm0, $0xb8;
	[tilespmem:$0x18480] =	vst v63  }
0x9a: {  	s15 =	rddreg [dreg:$0x1d]  }
0x9b: {  	[tilespmem:s15], [sflag:$0x2] =	stream.indirect_vreg.gather [hbm4b:s6+s4], $0x80, v4, vm0, $0xb8;
	[tilespmem:$0x18480] =	vst v63  }
0x9c: {  	s13 =	rddreg [dreg:$0x1e]  }
0x9d: {  	[tilespmem:s13], [sflag:$0x2] =	stream.indirect_vreg.gather [hbm4b:s1+s4], $0x80, v3, vm0, $0xb8;
	[tilespmem:$0x18480] =	vst v63  }
0x9e: {  	s15 =	rddreg [dreg:$0x1f]  }
0x9f: {  	[tilespmem:s15], [sflag:$0x2] =	stream.indirect_vreg.gather [hbm4b:s6+s4], $0x80, v3, vm0, $0xb8;
	[tilespmem:$0x18480] =	vst v63  }
0xa0: {  	v3 =	vld [tilespmem:$0x10];
	_ =	sdelay $0x4  }
0xa1: {  	v53 =	vshll.u32 v3, $0x2  }
0xa2: {  	v3 =	vand.u32 $0x7, v3;
	v4 =	vand.u32 $0xFFFFFFE0, v53  }
0xa3: {  	v3 =	vor.u32 v3, v4  }
0xa4: {  	v4 =	vperm.xlane v3, v0;
	_ =	sdelay $0x1  }
0xa5: {  	v4 =	vadd.s32 v1, v4;
	_ =	sdelay $0x1  }
0xa6: {  	s13 =	sld [smem:$0x7E3];
	v3 =	vperm.xlane v3, v2;
	_ =	sdelay $0x1  }
0xa7: {  	s15 =	sld [smem:$0x7E4];
	v3 =	vadd.s32 v1, v3  }
0xa8: {  	[tilespmem:s13], [sflag:$0x2] =	stream.indirect_vreg.gather [hbm4b:s1+s4], $0x80, v4, vm0, $0xb8;
	[tilespmem:$0x18480] =	vst v63  }
0xa9: {  	s12 =	sld [smem:$0x7E5]  }
0xaa: {  	[tilespmem:s15], [sflag:$0x2] =	stream.indirect_vreg.gather [hbm4b:s6+s4], $0x80, v4, vm0, $0xb8;
	[tilespmem:$0x18480] =	vst v63  }
0xab: {  	s15 =	sld [smem:$0x7E6]  }
0xac: {  	[tilespmem:s12], [sflag:$0x2] =	stream.indirect_vreg.gather [hbm4b:s1+s4], $0x80, v3, vm0, $0xb8;
	[tilespmem:$0x18480] =	vst v63  }
0xad: {  	_ = 	snop  }
0xae: {  	[tilespmem:s15], [sflag:$0x2] =	stream.indirect_vreg.gather [hbm4b:s6+s4], $0x80, v3, vm0, $0xb8;
	[tilespmem:$0x18480] =	vst v63  }
0xaf: {  	v3 =	vld [tilespmem:$0x20];
	_ =	sdelay $0x4  }
0xb0: {  	v54 =	vshll.u32 v3, $0x2  }
0xb1: {  	v3 =	vand.u32 $0x7, v3;
	v4 =	vand.u32 $0xFFFFFFE0, v54  }
0xb2: {  	v3 =	vor.u32 v3, v4  }
0xb3: {  	v4 =	vperm.xlane v3, v0;
	_ =	sdelay $0x1  }
0xb4: {  	v4 =	vadd.s32 v1, v4;
	_ =	sdelay $0x1  }
0xb5: {  	s13 =	sld [smem:$0x7E7];
	v3 =	vperm.xlane v3, v2;
	_ =	sdelay $0x1  }
0xb6: {  	s15 =	sld [smem:$0x7E8];
	v3 =	vadd.s32 v1, v3  }
0xb7: {  	[tilespmem:s13], [sflag:$0x2] =	stream.indirect_vreg.gather [hbm4b:s1+s4], $0x80, v4, vm0, $0xb8;
	[tilespmem:$0x18480] =	vst v63  }
0xb8: {  	s12 =	sld [smem:$0x7E9]  }
0xb9: {  	[tilespmem:s15], [sflag:$0x2] =	stream.indirect_vreg.gather [hbm4b:s6+s4], $0x80, v4, vm0, $0xb8;
	[tilespmem:$0x18480] =	vst v63  }
0xba: {  	s15 =	sld [smem:$0x7EA]  }
0xbb: {  	[tilespmem:s12], [sflag:$0x2] =	stream.indirect_vreg.gather [hbm4b:s1+s4], $0x80, v3, vm0, $0xb8;
	[tilespmem:$0x18480] =	vst v63  }
0xbc: {  	_ = 	snop  }
0xbd: {  	[tilespmem:s15], [sflag:$0x2] =	stream.indirect_vreg.gather [hbm4b:s6+s4], $0x80, v3, vm0, $0xb8;
	[tilespmem:$0x18480] =	vst v63  }
0xbe: {  	v3 =	vld [tilespmem:$0x30];
	_ =	sdelay $0x4  }
0xbf: {  	v55 =	vshll.u32 v3, $0x2  }
0xc0: {  	v3 =	vand.u32 $0x7, v3;
	v4 =	vand.u32 $0xFFFFFFE0, v55  }
0xc1: {  	v3 =	vor.u32 v3, v4  }
0xc2: {  	v4 =	vperm.xlane v3, v0;
	_ =	sdelay $0x1  }
0xc3: {  	v4 =	vadd.s32 v1, v4;
	_ =	sdelay $0x1  }
0xc4: {  	s13 =	sld [smem:$0x7EB];
	v3 =	vperm.xlane v3, v2;
	_ =	sdelay $0x1  }
0xc5: {  	s15 =	sld [smem:$0x7EC];
	v3 =	vadd.s32 v1, v3  }
0xc6: {  	[tilespmem:s13], [sflag:$0x2] =	stream.indirect_vreg.gather [hbm4b:s1+s4], $0x80, v4, vm0, $0xb8;
	[tilespmem:$0x18480] =	vst v63  }
0xc7: {  	s12 =	sld [smem:$0x7ED]  }
0xc8: {  	[tilespmem:s15], [sflag:$0x2] =	stream.indirect_vreg.gather [hbm4b:s6+s4], $0x80, v4, vm0, $0xb8;
	[tilespmem:$0x18480] =	vst v63  }
0xc9: {  	s15 =	sld [smem:$0x7EE]  }
0xca: {  	[tilespmem:s12], [sflag:$0x2] =	stream.indirect_vreg.gather [hbm4b:s1+s4], $0x80, v3, vm0, $0xb8;
	[tilespmem:$0x18480] =	vst v63  }
0xcb: {  	_ = 	snop  }
0xcc: {  	[tilespmem:s15], [sflag:$0x2] =	stream.indirect_vreg.gather [hbm4b:s6+s4], $0x80, v3, vm0, $0xb8;
	[tilespmem:$0x18480] =	vst v63  }
0xcd: {  	_ =	swait.ge [sflag:s28], $0x8000  }
0xce: {  	[sflag:s28] =	ssyncset.done $0x0  }
0xcf: {  	s15 =	rddreg [dreg:$0x11];
	[sflag:s28] =	ssyncadd.s32 $0xFFFF8000  }
0xd0: {  	[hbm4b:s15+s4] =	stream.linear.scatter [tilespmem:s9], [sflag:$0x4], $0x8000, $0x38;
	[tilespmem:$0x18480] =	vst v63  }
0xd1: {  	v3 =	vld [tilespmem:$0x40];
	_ =	sdelay $0x4  }
0xd2: {  	v56 =	vshll.u32 v3, $0x2  }
0xd3: {  	v3 =	vand.u32 $0x7, v3;
	v4 =	vand.u32 $0xFFFFFFE0, v56  }
0xd4: {  	v3 =	vor.u32 v3, v4  }
0xd5: {  	v4 =	vperm.xlane v3, v0;
	_ =	sdelay $0x1  }
0xd6: {  	v4 =	vadd.s32 v1, v4;
	_ =	sdelay $0x1  }
0xd7: {  	v3 =	vperm.xlane v3, v2;
	_ =	sdelay $0x1  }
0xd8: {  	s12 =	sld [smem:$0x7EF];
	s15 =	simm.s32 $0x10480;
	v3 =	vadd.s32 v1, v3  }
0xd9: {  	[tilespmem:s15], [sflag:$0x3] =	stream.indirect_vreg.gather [hbm4b:s0+s4], $0x80, v4, vm0, $0xb8;
	[tilespmem:$0x18480] =	vst v63  }
0xda: {  	s13 =	sld [smem:$0x7F0]  }
0xdb: {  	[tilespmem:s12], [sflag:$0x3] =	stream.indirect_vreg.gather [hbm4b:s5+s4], $0x80, v4, vm0, $0xb8;
	[tilespmem:$0x18480] =	vst v63  }
0xdc: {  	s12 =	sld [smem:$0x7F1]  }
0xdd: {  	[tilespmem:s13], [sflag:$0x3] =	stream.indirect_vreg.gather [hbm4b:s0+s4], $0x80, v3, vm0, $0xb8;
	[tilespmem:$0x18480] =	vst v63  }
0xde: {  	_ = 	snop  }
0xdf: {  	[tilespmem:s12], [sflag:$0x3] =	stream.indirect_vreg.gather [hbm4b:s5+s4], $0x80, v3, vm0, $0xb8;
	[tilespmem:$0x18480] =	vst v63  }
0xe0: {  	v3 =	vld [tilespmem:$0x50];
	_ =	sdelay $0x4  }
0xe1: {  	v57 =	vshll.u32 v3, $0x2  }
0xe2: {  	v3 =	vand.u32 $0x7, v3;
	v4 =	vand.u32 $0xFFFFFFE0, v57  }
0xe3: {  	v3 =	vor.u32 v3, v4  }
0xe4: {  	v4 =	vperm.xlane v3, v0;
	_ =	sdelay $0x1  }
0xe5: {  	v4 =	vadd.s32 v1, v4;
	_ =	sdelay $0x1  }
0xe6: {  	s12 =	sld [smem:$0x7F2];
	v3 =	vperm.xlane v3, v2;
	_ =	sdelay $0x1  }
0xe7: {  	s13 =	sld [smem:$0x7F3];
	v3 =	vadd.s32 v1, v3  }
0xe8: {  	[tilespmem:s12], [sflag:$0x3] =	stream.indirect_vreg.gather [hbm4b:s0+s4], $0x80, v4, vm0, $0xb8;
	[tilespmem:$0x18480] =	vst v63  }
0xe9: {  	s12 =	sld [smem:$0x7F4]  }
0xea: {  	[tilespmem:s13], [sflag:$0x3] =	stream.indirect_vreg.gather [hbm4b:s5+s4], $0x80, v4, vm0, $0xb8;
	[tilespmem:$0x18480] =	vst v63  }
0xeb: {  	s13 =	sld [smem:$0x7F5]  }
0xec: {  	[tilespmem:s12], [sflag:$0x3] =	stream.indirect_vreg.gather [hbm4b:s0+s4], $0x80, v3, vm0, $0xb8;
	[tilespmem:$0x18480] =	vst v63  }
0xed: {  	_ = 	snop  }
0xee: {  	[tilespmem:s13], [sflag:$0x3] =	stream.indirect_vreg.gather [hbm4b:s5+s4], $0x80, v3, vm0, $0xb8;
	[tilespmem:$0x18480] =	vst v63  }
0xef: {  	v3 =	vld [tilespmem:$0x60];
	_ =	sdelay $0x4  }
0xf0: {  	v58 =	vshll.u32 v3, $0x2  }
0xf1: {  	v3 =	vand.u32 $0x7, v3;
	v4 =	vand.u32 $0xFFFFFFE0, v58  }
0xf2: {  	v3 =	vor.u32 v3, v4  }
0xf3: {  	v4 =	vperm.xlane v3, v0;
	_ =	sdelay $0x1  }
0xf4: {  	v4 =	vadd.s32 v1, v4;
	_ =	sdelay $0x1  }
0xf5: {  	s12 =	sld [smem:$0x7F6];
	v3 =	vperm.xlane v3, v2;
	_ =	sdelay $0x1  }
0xf6: {  	s13 =	sld [smem:$0x7F7];
	v3 =	vadd.s32 v1, v3  }
0xf7: {  	[tilespmem:s12], [sflag:$0x3] =	stream.indirect_vreg.gather [hbm4b:s0+s4], $0x80, v4, vm0, $0xb8;
	[tilespmem:$0x18480] =	vst v63  }
0xf8: {  	s12 =	sld [smem:$0x7F8]  }
0xf9: {  	[tilespmem:s13], [sflag:$0x3] =	stream.indirect_vreg.gather [hbm4b:s5+s4], $0x80, v4, vm0, $0xb8;
	[tilespmem:$0x18480] =	vst v63  }
0xfa: {  	s13 =	sld [smem:$0x7F9]  }
0xfb: {  	[tilespmem:s12], [sflag:$0x3] =	stream.indirect_vreg.gather [hbm4b:s0+s4], $0x80, v3, vm0, $0xb8;
	[tilespmem:$0x18480] =	vst v63  }
0xfc: {  	_ = 	snop  }
0xfd: {  	[tilespmem:s13], [sflag:$0x3] =	stream.indirect_vreg.gather [hbm4b:s5+s4], $0x80, v3, vm0, $0xb8;
	[tilespmem:$0x18480] =	vst v63  }
0xfe: {  	v3 =	vld [tilespmem:$0x70];
	_ =	sdelay $0x4  }
0xff: {  	v59 =	vshll.u32 v3, $0x2  }
0x100: {  	v3 =	vand.u32 $0x7, v3;
	v4 =	vand.u32 $0xFFFFFFE0, v59  }
0x101: {  	v3 =	vor.u32 v3, v4  }
0x102: {  	v4 =	vperm.xlane v3, v0;
	_ =	sdelay $0x1  }
0x103: {  	v4 =	vadd.s32 v1, v4;
	_ =	sdelay $0x1  }
0x104: {  	s12 =	sld [smem:$0x7FA];
	v3 =	vperm.xlane v3, v2;
	_ =	sdelay $0x1  }
0x105: {  	s13 =	sld [smem:$0x7FB];
	v3 =	vadd.s32 v1, v3  }
0x106: {  	[tilespmem:s12], [sflag:$0x3] =	stream.indirect_vreg.gather [hbm4b:s0+s4], $0x80, v4, vm0, $0xb8;
	[tilespmem:$0x18480] =	vst v63  }
0x107: {  	s12 =	sld [smem:$0x7FC]  }
0x108: {  	[tilespmem:s13], [sflag:$0x3] =	stream.indirect_vreg.gather [hbm4b:s5+s4], $0x80, v4, vm0, $0xb8;
	[tilespmem:$0x18480] =	vst v63  }
0x109: {  	s13 =	sld [smem:$0x7FD]  }
0x10a: {  	[tilespmem:s12], [sflag:$0x3] =	stream.indirect_vreg.gather [hbm4b:s0+s4], $0x80, v3, vm0, $0xb8;
	[tilespmem:$0x18480] =	vst v63  }
0x10b: {  	_ = 	snop  }
0x10c: {  	[tilespmem:s13], [sflag:$0x3] =	stream.indirect_vreg.gather [hbm4b:s5+s4], $0x80, v3, vm0, $0xb8;
	[tilespmem:$0x18480] =	vst v63  }
0x10d: {  	s13 =	simm.s32 $0x2  }
0x10e: {  	_ =	swait.ge [sflag:s13], $0x8000  }
0x10f: {  	[sflag:s13] =	ssyncset.done $0x0  }
0x110: {  	s12 =	rddreg [dreg:$0x12];
	[sflag:s13] =	ssyncadd.s32 $0xFFFF8000  }
0x111: {  	[hbm4b:s12+s4] =	stream.linear.scatter [tilespmem:s14], [sflag:$0x5], $0x8000, $0x38;
	[tilespmem:$0x18480] =	vst v63  }
0x112: {  	_ =	swait.ge [sflag:s31], $0x8000  }
0x113: {  	[sflag:s31] =	ssyncset.done $0x0  }
0x114: {  	[sflag:s31] =	ssyncadd.s32 $0xFFFF8000  }
0x115: {  	v3 =	vld [tilespmem:$0x40];
	_ =	sdelay $0x4  }
0x116: {  	v60 =	vshll.u32 v3, $0x2  }
0x117: {  	v3 =	vand.u32 $0x7, v3;
	v4 =	vand.u32 $0xFFFFFFE0, v60  }
0x118: {  	v3 =	vor.u32 v3, v4  }
0x119: {  	v4 =	vperm.xlane v3, v0;
	_ =	sdelay $0x1  }
0x11a: {  	v4 =	vadd.s32 v1, v4;
	_ =	sdelay $0x1  }
0x11b: {  	v3 =	vperm.xlane v3, v2;
	_ =	sdelay $0x1  }
0x11c: {  	v3 =	vadd.s32 v1, v3  }
0x11d: {  	[tilespmem:s9], [sflag:$0x1] =	stream.indirect_vreg.gather [hbm4b:s1+s4], $0x80, v4, vm0, $0xb8;
	[tilespmem:$0x18480] =	vst v63  }
0x11e: {  	_ = 	snop  }
0x11f: {  	[tilespmem:s16], [sflag:$0x1] =	stream.indirect_vreg.gather [hbm4b:s6+s4], $0x80, v4, vm0, $0xb8;
	[tilespmem:$0x18480] =	vst v63  }
0x120: {  	_ = 	snop  }
0x121: {  	[tilespmem:s17], [sflag:$0x1] =	stream.indirect_vreg.gather [hbm4b:s1+s4], $0x80, v3, vm0, $0xb8;
	[tilespmem:$0x18480] =	vst v63  }
0x122: {  	_ = 	snop  }
0x123: {  	[tilespmem:s18], [sflag:$0x1] =	stream.indirect_vreg.gather [hbm4b:s6+s4], $0x80, v3, vm0, $0xb8;
	[tilespmem:$0x18480] =	vst v63  }
0x124: {  	v3 =	vld [tilespmem:$0x50];
	_ =	sdelay $0x4  }
0x125: {  	v61 =	vshll.u32 v3, $0x2  }
0x126: {  	v3 =	vand.u32 $0x7, v3;
	v4 =	vand.u32 $0xFFFFFFE0, v61  }
0x127: {  	v3 =	vor.u32 v3, v4  }
0x128: {  	v4 =	vperm.xlane v3, v0;
	_ =	sdelay $0x1  }
0x129: {  	v4 =	vadd.s32 v1, v4;
	_ =	sdelay $0x1  }
0x12a: {  	v3 =	vperm.xlane v3, v2;
	_ =	sdelay $0x1  }
0x12b: {  	v3 =	vadd.s32 v1, v3  }
0x12c: {  	[tilespmem:s19], [sflag:$0x1] =	stream.indirect_vreg.gather [hbm4b:s1+s4], $0x80, v4, vm0, $0xb8;
	[tilespmem:$0x18480] =	vst v63  }
0x12d: {  	_ = 	snop  }
0x12e: {  	[tilespmem:s20], [sflag:$0x1] =	stream.indirect_vreg.gather [hbm4b:s6+s4], $0x80, v4, vm0, $0xb8;
	[tilespmem:$0x18480] =	vst v63  }
0x12f: {  	_ = 	snop  }
0x130: {  	[tilespmem:s21], [sflag:$0x1] =	stream.indirect_vreg.gather [hbm4b:s1+s4], $0x80, v3, vm0, $0xb8;
	[tilespmem:$0x18480] =	vst v63  }
0x131: {  	_ = 	snop  }
0x132: {  	[tilespmem:s22], [sflag:$0x1] =	stream.indirect_vreg.gather [hbm4b:s6+s4], $0x80, v3, vm0, $0xb8;
	[tilespmem:$0x18480] =	vst v63  }
0x133: {  	v3 =	vld [tilespmem:$0x60];
	_ =	sdelay $0x4  }
0x134: {  	v62 =	vshll.u32 v3, $0x2  }
0x135: {  	v3 =	vand.u32 $0x7, v3;
	v4 =	vand.u32 $0xFFFFFFE0, v62  }
0x136: {  	v3 =	vor.u32 v3, v4  }
0x137: {  	v4 =	vperm.xlane v3, v0;
	_ =	sdelay $0x1  }
0x138: {  	v4 =	vadd.s32 v1, v4;
	_ =	sdelay $0x1  }
0x139: {  	v3 =	vperm.xlane v3, v2;
	_ =	sdelay $0x1  }
0x13a: {  	v3 =	vadd.s32 v1, v3  }
0x13b: {  	[tilespmem:s23], [sflag:$0x1] =	stream.indirect_vreg.gather [hbm4b:s1+s4], $0x80, v4, vm0, $0xb8;
	[tilespmem:$0x18480] =	vst v63  }
0x13c: {  	_ = 	snop  }
0x13d: {  	[tilespmem:s24], [sflag:$0x1] =	stream.indirect_vreg.gather [hbm4b:s6+s4], $0x80, v4, vm0, $0xb8;
	[tilespmem:$0x18480] =	vst v63  }
0x13e: {  	_ = 	snop  }
0x13f: {  	[tilespmem:s26], [sflag:$0x1] =	stream.indirect_vreg.gather [hbm4b:s1+s4], $0x80, v3, vm0, $0xb8;
	[tilespmem:$0x18480] =	vst v63  }
0x140: {  	_ = 	snop  }
0x141: {  	[tilespmem:s29], [sflag:$0x1] =	stream.indirect_vreg.gather [hbm4b:s6+s4], $0x80, v3, vm0, $0xb8;
	[tilespmem:$0x18480] =	vst v63  }
0x142: {  	v3 =	vld [tilespmem:$0x70];
	_ =	sdelay $0x4  }
0x143: {  	v63 =	vshll.u32 v3, $0x2  }
0x144: {  	v3 =	vand.u32 $0x7, v3;
	v4 =	vand.u32 $0xFFFFFFE0, v63  }
0x145: {  	v3 =	vor.u32 v3, v4  }
0x146: {  	v4 =	vperm.xlane v3, v0;
	_ =	sdelay $0x1  }
0x147: {  	v4 =	vadd.s32 v1, v4;
	_ =	sdelay $0x1  }
0x148: {  	v3 =	vperm.xlane v3, v2;
	_ =	sdelay $0x1  }
0x149: {  	v3 =	vadd.s32 v1, v3  }
0x14a: {  	[tilespmem:s30], [sflag:$0x1] =	stream.indirect_vreg.gather [hbm4b:s1+s4], $0x80, v4, vm0, $0xb8;
	[tilespmem:$0x18480] =	vst v63  }
0x14b: {  	_ = 	snop  }
0x14c: {  	[tilespmem:s2], [sflag:$0x1] =	stream.indirect_vreg.gather [hbm4b:s6+s4], $0x80, v4, vm0, $0xb8;
	[tilespmem:$0x18480] =	vst v63  }
0x14d: {  	_ = 	snop  }
0x14e: {  	[tilespmem:s3], [sflag:$0x1] =	stream.indirect_vreg.gather [hbm4b:s1+s4], $0x80, v3, vm0, $0xb8;
	[tilespmem:$0x18480] =	vst v63  }
0x14f: {  	s13 =	simm.s32 $0x3  }
0x150: {  	[tilespmem:s10], [sflag:$0x1] =	stream.indirect_vreg.gather [hbm4b:s6+s4], $0x80, v3, vm0, $0xb8;
	[tilespmem:$0x18480] =	vst v63  }
0x151: {  	_ =	swait.ge [sflag:s13], $0x8000  }
0x152: {  	[sflag:s13] =	ssyncset.done $0x0  }
0x153: {  	s14 =	rddreg [dreg:$0x13];
	[sflag:s13] =	ssyncadd.s32 $0xFFFF8000  }
0x154: {  	[hbm4b:s14+s4] =	stream.linear.scatter [tilespmem:s15], [sflag:$0x6], $0x8000, $0x38;
	[tilespmem:$0x18480] =	vst v63  }
0x155: {  	_ =	swait.ge [sflag:s28], $0x8000  }
0x156: {  	[sflag:s28] =	ssyncset.done $0x0  }
0x157: {  	s13 =	simm.s32 $0x5;
	s2 =	rddreg [dreg:$0x14];
	[sflag:s28] =	ssyncadd.s32 $0xFFFF8000  }
0x158: {  	[hbm4b:s2+s4] =	stream.linear.scatter [tilespmem:s9], [sflag:$0x4], $0x8000, $0x38;
	[tilespmem:$0x18480] =	vst v63  }
0x159: {  	_ =	swait.ge [sflag:s13], $0x8000  }
0x15a: {  	[sflag:s13] =	ssyncset.done $0x0  }
0x15b: {  	s14 =	simm.s32 $0x6;
	[sflag:s13] =	ssyncadd.s32 $0xFFFF8000  }
0x15c: {  	_ =	swait.ge [sflag:s14], $0x8000  }
0x15d: {  	[sflag:s14] =	ssyncset.done $0x0  }
0x15e: {  	[sflag:s14] =	ssyncadd.s32 $0xFFFF8000  }
0x15f: {  	_ =	swait.ge [sflag:s31], $0x8000  }
0x160: {  	[sflag:s31] =	ssyncset.done $0x0  }
0x161: {  	[sflag:s31] =	ssyncadd.s32 $0xFFFF8000  }
0x162: {  	_ =	swait.ge [sflag:s11], $0x80  }
0x163: {  	[sflag:s11] =	ssyncset.done $0x0  }
0x164: {  	[sflag:s11] =	ssyncadd.s32 $0xFFFFFF80  }
0x165: {  	_ =	swait.ge [sflag:s11], $0x80  }
0x166: {  	[sflag:s11] =	ssyncset.done $0x0  }
0x167: {  	[sflag:s11] =	ssyncadd.s32 $0xFFFFFF80  }
0x168: {  	_ =	swait.ge [sflag:s11], $0x80  }
0x169: {  	[sflag:s11] =	ssyncset.done $0x0  }
0x16a: {  	[sflag:s11] =	ssyncadd.s32 $0xFFFFFF80  }
0x16b: {  	_ =	swait.ge [sflag:s11], $0x80  }
0x16c: {  	[sflag:s11] =	ssyncset.done $0x0  }
0x16d: {  	[sflag:s11] =	ssyncadd.s32 $0xFFFFFF80  }
0x16e: {  	_ =	swait.ge [sflag:s11], $0x80  }
0x16f: {  	[sflag:s11] =	ssyncset.done $0x0  }
0x170: {  	[sflag:s11] =	ssyncadd.s32 $0xFFFFFF80  }
0x171: {  	_ =	swait.ge [sflag:s11], $0x80  }
0x172: {  	[sflag:s11] =	ssyncset.done $0x0  }
0x173: {  	[sflag:s11] =	ssyncadd.s32 $0xFFFFFF80  }
0x174: {  	_ =	swait.ge [sflag:s11], $0x80  }
0x175: {  	[sflag:s11] =	ssyncset.done $0x0  }
0x176: {  	[sflag:s11] =	ssyncadd.s32 $0xFFFFFF80  }
0x177: {  	_ =	swait.ge [sflag:s11], $0x80  }
0x178: {  	p0 =	sne.s32 s7, $0x1;
	[sflag:s11] =	ssyncset.done $0x0  }
.Ltmp0:
0x179: {  	s15 =	rddreg [dreg:$0x15];
	[sflag:s11] =	ssyncadd.s32 $0xFFFFFF80;
	(pc) =	sbr.rel @p0 .LBB2_1-.Ltmp0, $4  }
0x17a: {  	[hbm4b:s15+s4] =	stream.linear.scatter [tilespmem:s25], [sflag:$0x8], $0x400, $0x38;
	[tilespmem:$0x18480] =	vst v63  }
0x17b: {  	_ =	swait.ge [sflag:s8], $0x400  }
0x17c: {  	[sflag:s8] =	ssyncset.done $0x0  }
0x17d: {  	s7 =	sadd.s32 $0xFFFFFFFF, s7;
	[sflag:s8] =	ssyncadd.s32 $0xFFFFFC00  }
0x17e: {  	_ =	sfence.sel $0x180000  }
0x17f: {  	[bflag:$0x0] =	sbarrier.arrive $0xFFFF  }
0x180: {  	_ =	strace $0x90000047  }
0x181: {  	s0 =	stileid.u32;
	[bflag:$0x2] =	sbarrier.arrive $0xFFFF  }
0x182: {  	p0 =	sne.s32 s0, $0x0;
	s0 =	rddreg [dreg:$0x7]  }
0x183: {  	s0 =	sadd.s32 @!p0 $0x100000, s0  }
0x184: {  	[sflag:s0] =	ssyncadd.tile.s32 @!p0 $0x1;
	_ =	shalt  }
.Lfunc_end2:
_tile_overlayer_lowered:
.L_overlay_start_2:
0x185: {  	(tag) =	ssettag $0x2  }
0x186: {  	s0 =	rddreg [dreg:$0x0];
	s2 =	stileid.u32  }
0x187: {  	s1 =	rddreg [dreg:$0x1];
	p0 =	sne.s32 s2, $0x0  }
0x188: {  	s3 =	rddreg [dreg:$0x2];
	[bflag:$0x3] =	sbarrier.arrive $0xFFFF;
	s2 =	simm.s32 @!p0 $0x1C08  }
0x189: {  	[timem:s3], [sflag:s2] =	dma.local @!p0 [hbm:s0], s1  }
0x18a: {  	s0 =	simm.s32 @!p0 $0x8  }
0x18b: {  	_ =	swait.ge @!p0 [sflag:s0], s1  }
0x18c: {  	s1 =	ssub.s32 @!p0 $0x0, s1;
	[sflag:s0] =	ssyncset.done @!p0 $0x0  }
0x18d: {  	[sflag:s0] =	ssyncadd.s32 @!p0 s1  }
0x18e: {  	[bflag:$0x3] =	sbarrier.arrive $0xFFFF  }
0x18f: {  	_ =	shalt  }

</sc_bundles>
